<compile_context>
chip_gen: v7x
topology: tpu7x:2x2x1
jax: 0.10.2.dev20260603
libtpu: 0.0.44.dev20260713+nightly
codegen_flags: <defaults>
</compile_context>

<pallas_src>
import jax
import jax.numpy as jnp
from jax import lax
from jax.experimental import pallas as pl
from jax.experimental.pallas import tpu as pltpu
from jax.experimental.pallas import tpu_sc as plsc

E = 320000
D = 128
V = 100
NC = 2
NS = 16
NW = NC * NS
PER_W = E // NW
C = 80
NCHUNK = PER_W // C

_mesh = plsc.VectorSubcoreMesh(core_axis_name="c", subcore_axis_name="s")


@pl.kernel(
    out_type=jax.ShapeDtypeStruct((E, D), jnp.float32),
    mesh=_mesh,
    compiler_params=pltpu.CompilerParams(needs_layout_passes=False),
    scratch_types=[
        pltpu.VMEM((NCHUNK, C), jnp.int32),
        pltpu.VMEM((NCHUNK, C), jnp.int32),
        pltpu.VMEM((NCHUNK, C), jnp.int32),
        pltpu.VMEM((C, D), jnp.float32),
        pltpu.VMEM((C, D), jnp.float32),
        pltpu.VMEM((C, D), jnp.float32),
        pltpu.VMEM((C, D), jnp.float32),
        pltpu.VMEM((C, D), jnp.float32),
        pltpu.VMEM((C, D), jnp.float32),
        pltpu.VMEM_SHARED((V, D), jnp.float32),
        pltpu.VMEM_SHARED((V, D), jnp.float32),
        pltpu.VMEM_SHARED((V, D), jnp.float32),
        pltpu.SemaphoreType.DMA,
        pltpu.SemaphoreType.DMA,
        pltpu.SemaphoreType.DMA,
        pltpu.SemaphoreType.DMA,
    ],
)
def _bond_sum(i0_hbm, i1_hbm, i2_hbm, t0_hbm, t1_hbm, t2_hbm, out_hbm,
              i0_v, i1_v, i2_v, ob_a, ob_b, x_a, x_b, y_a, y_b,
              t0_s, t1_s, t2_s,
              gs_a, gs_b, os_a, os_b):
    wid = lax.axis_index("s") * NC + lax.axis_index("c")
    row0 = wid * PER_W
    sid = lax.axis_index("s")

    @pl.when(sid == 0)
    def _stage_tables():
        pltpu.sync_copy(t0_hbm, t0_s)
        pltpu.sync_copy(t1_hbm, t1_s)
        pltpu.sync_copy(t2_hbm, t2_s)

    pltpu.sync_copy(i0_hbm.at[wid], i0_v)
    pltpu.sync_copy(i1_hbm.at[wid], i1_v)
    pltpu.sync_copy(i2_hbm.at[wid], i2_v)
    plsc.subcore_barrier()

    obs = (ob_a, ob_b)
    xs = (x_a, x_b)
    ys = (y_a, y_b)
    gs = (gs_a, gs_b)
    os_ = (os_a, os_b)

    def issue_gathers(c, b):
        pltpu.async_copy(t0_s.at[i0_v.at[c]], obs[b], gs[b])
        pltpu.async_copy(t1_s.at[i1_v.at[c]], xs[b], gs[b])
        pltpu.async_copy(t2_s.at[i2_v.at[c]], ys[b], gs[b])

    def wait_gathers(c, b):
        pltpu.make_async_copy(t0_s.at[i0_v.at[c]], obs[b], gs[b]).wait()
        pltpu.make_async_copy(t1_s.at[i1_v.at[c]], xs[b], gs[b]).wait()
        pltpu.make_async_copy(t2_s.at[i2_v.at[c]], ys[b], gs[b]).wait()

    def issue_out(c, b):
        r = pl.multiple_of(row0 + c * C, 16)
        pltpu.async_copy(obs[b], out_hbm.at[pl.ds(r, C)], os_[b])

    def wait_out(c, b):
        r = pl.multiple_of(row0 + c * C, 16)
        pltpu.make_async_copy(obs[b], out_hbm.at[pl.ds(r, C)],
                              os_[b]).wait()

    def compute(b):
        o, x, y = obs[b], xs[b], ys[b]

        @plsc.parallel_loop(0, C, unroll=2)
        def _(r):
            for j in range(D // 16):
                sl = pl.ds(j * 16, 16)
                plsc.addupdate(o.at[r, sl], x[r, sl] + y[r, sl])

    issue_gathers(0, 0)
    wait_gathers(0, 0)
    issue_gathers(1, 1)
    compute(0)
    issue_out(0, 0)

    def pair(i, carry):
        for (off, b) in ((1, 1), (2, 0)):
            c = 2 * i + off
            wait_gathers(c, b)
            wait_out(c - 1, 1 - b)
            issue_gathers(c + 1, 1 - b)
            compute(b)
            issue_out(c, b)
        return carry

    lax.fori_loop(0, (NCHUNK - 3) // 2, pair, 0)

    c = NCHUNK - 2
    wait_gathers(c, 1)
    wait_out(c - 1, 0)
    issue_gathers(c + 1, 0)
    compute(1)
    issue_out(c, 1)

    c = NCHUNK - 1
    wait_gathers(c, 0)
    wait_out(c - 1, 1)
    compute(0)
    issue_out(c, 0)
    wait_out(c, 0)


def kernel(edge_attr, emb0, emb1, emb2):
    ea = edge_attr.astype(jnp.int32)
    i0 = ea[:, 0].reshape(NW, NCHUNK, C)
    i1 = ea[:, 1].reshape(NW, NCHUNK, C)
    i2 = ea[:, 2].reshape(NW, NCHUNK, C)
    return _bond_sum(i0, i1, i2, emb0, emb1, emb2)

# --- scband reference (transcript-rebuilt; emitter-appended) ---
"""Pipeline reference for scband-bond-encoder-5557687681835 (READ-ONLY COPY).

The authoritative reference and input builder live on the scoring server;
editing this copy changes nothing except your own understanding.
"""

import jax, jax.numpy as jnp
import numpy as np

HIDDEN = 128
E = 320000

def setup_inputs(seed: int = 0) -> dict:
    key = jax.random.key(seed)
    k0, k1, k2, k3 = jax.random.split(key, 4)
    edge_attr = jax.random.randint(k0, (E, 3), 0, 100, dtype=jnp.int64) if jax.config.jax_enable_x64 else jax.random.randint(k0, (E, 3), 0, 100, dtype=jnp.int32)
    # Xavier uniform init for each embedding table (fan_in=100, fan_out=HIDDEN)
    limit = float(np.sqrt(6.0 / (100 + HIDDEN)))
    emb0 = jax.random.uniform(k1, (100, HIDDEN), dtype=jnp.float32, minval=-limit, maxval=limit)
    emb1 = jax.random.uniform(k2, (100, HIDDEN), dtype=jnp.float32, minval=-limit, maxval=limit)
    emb2 = jax.random.uniform(k3, (100, HIDDEN), dtype=jnp.float32, minval=-limit, maxval=limit)
    return {"edge_attr": edge_attr, "emb0": emb0, "emb1": emb1, "emb2": emb2}

def reference(edge_attr, emb0, emb1, emb2):
    if edge_attr.ndim == 1:
        edge_attr = edge_attr[:, None]
    tables = [emb0, emb1, emb2]
    out = 0
    for i in range(edge_attr.shape[1]):
        out = out + jnp.take(tables[i], edge_attr[:, i], axis=0)
    return out

if __name__ == "__main__":
    import jax
    _d = setup_inputs()
    print(jax.jit(kernel)(*tuple(_d.values())))

</pallas_src>

<mosaic_0001>
#map = affine_map<(d0, d1) -> (0, 0, 0)>
#map1 = affine_map<(d0, d1) -> (0, 0)>
module attributes {stable_mosaic.version = 14 : i64} {
  func.func @_bond_sum(%arg0: i32, %arg1: i32, %arg2: memref<32x125x80xi32, #tpu.memory_space<hbm>>, %arg3: memref<32x125x80xi32, #tpu.memory_space<hbm>>, %arg4: memref<32x125x80xi32, #tpu.memory_space<hbm>>, %arg5: memref<100x128xf32, #tpu.memory_space<hbm>>, %arg6: memref<100x128xf32, #tpu.memory_space<hbm>>, %arg7: memref<100x128xf32, #tpu.memory_space<hbm>>, %arg8: memref<320000x128xf32, #tpu.memory_space<hbm>>, %arg9: memref<125x80xi32, #tpu.memory_space<vmem>>, %arg10: memref<125x80xi32, #tpu.memory_space<vmem>>, %arg11: memref<125x80xi32, #tpu.memory_space<vmem>>, %arg12: memref<80x128xf32, #tpu.memory_space<vmem>>, %arg13: memref<80x128xf32, #tpu.memory_space<vmem>>, %arg14: memref<80x128xf32, #tpu.memory_space<vmem>>, %arg15: memref<80x128xf32, #tpu.memory_space<vmem>>, %arg16: memref<80x128xf32, #tpu.memory_space<vmem>>, %arg17: memref<80x128xf32, #tpu.memory_space<vmem>>, %arg18: memref<100x128xf32, #tpu.memory_space<vmem_shared>>, %arg19: memref<100x128xf32, #tpu.memory_space<vmem_shared>>, %arg20: memref<100x128xf32, #tpu.memory_space<vmem_shared>>, %arg21: memref<!tpu.dma_semaphore, #tpu.memory_space<semaphore_mem>>, %arg22: memref<!tpu.dma_semaphore, #tpu.memory_space<semaphore_mem>>, %arg23: memref<!tpu.dma_semaphore, #tpu.memory_space<semaphore_mem>>, %arg24: memref<!tpu.dma_semaphore, #tpu.memory_space<semaphore_mem>>) attributes {dimension_semantics = [#tpu.dimension_semantics<core_parallel>, #tpu.dimension_semantics<subcore_parallel>], iteration_bounds = array<i64: 2, 16>, scalar_prefetch = 0 : i64, scratch_operands = 16 : i64, tpu.core_type = #tpu.core_type<sc_vector_subcore>, window_params = [{transform_indices = #map}, {transform_indices = #map}, {transform_indices = #map}, {transform_indices = #map1}, {transform_indices = #map1}, {transform_indices = #map1}, {transform_indices = #map1}]} {
    %mul3A = arith.constant 2 : i32
    %mul3A_0 = arith.muli %arg1, %mul3A : i32
    %add3A = arith.addi %mul3A_0, %arg0 : i32
    %mul3A_1 = arith.constant 10000 : i32
    %mul3A_2 = arith.muli %add3A, %mul3A_1 : i32
    %eq3A = arith.constant 0 : i32
    %eq3A_3 = arith.cmpi eq, %arg1, %eq3A : i32
    %convert_element_type3A = arith.extui %eq3A_3 : i1 to i32
    %cond3A = arith.constant 0 : i32
    %cond3A_4 = arith.cmpi ne, %convert_element_type3A, %cond3A : i32
    scf.if %cond3A_4 {
      "tpu.region"() ({
        %run_scoped3A = tpu.sem_alloc : memref<!tpu.dma_semaphore, #tpu.memory_space<semaphore_mem>>
        tpu.enqueue_dma source(%arg5 : memref<100x128xf32, #tpu.memory_space<hbm>>) target(%arg18 : memref<100x128xf32, #tpu.memory_space<vmem_shared>>) target_semaphore(%run_scoped3A : memref<!tpu.dma_semaphore, #tpu.memory_space<semaphore_mem>>)
        tpu.wait_dma2 semaphore(%run_scoped3A : memref<!tpu.dma_semaphore, #tpu.memory_space<semaphore_mem>>) src(%arg5 : memref<100x128xf32, #tpu.memory_space<hbm>>) dst(%arg18 : memref<100x128xf32, #tpu.memory_space<vmem_shared>>)
        tpu.yield
      }) : () -> ()
      "tpu.region"() ({
        %run_scoped3A = tpu.sem_alloc : memref<!tpu.dma_semaphore, #tpu.memory_space<semaphore_mem>>
        tpu.enqueue_dma source(%arg6 : memref<100x128xf32, #tpu.memory_space<hbm>>) target(%arg19 : memref<100x128xf32, #tpu.memory_space<vmem_shared>>) target_semaphore(%run_scoped3A : memref<!tpu.dma_semaphore, #tpu.memory_space<semaphore_mem>>)
        tpu.wait_dma2 semaphore(%run_scoped3A : memref<!tpu.dma_semaphore, #tpu.memory_space<semaphore_mem>>) src(%arg6 : memref<100x128xf32, #tpu.memory_space<hbm>>) dst(%arg19 : memref<100x128xf32, #tpu.memory_space<vmem_shared>>)
        tpu.yield
      }) : () -> ()
      "tpu.region"() ({
        %run_scoped3A = tpu.sem_alloc : memref<!tpu.dma_semaphore, #tpu.memory_space<semaphore_mem>>
        tpu.enqueue_dma source(%arg7 : memref<100x128xf32, #tpu.memory_space<hbm>>) target(%arg20 : memref<100x128xf32, #tpu.memory_space<vmem_shared>>) target_semaphore(%run_scoped3A : memref<!tpu.dma_semaphore, #tpu.memory_space<semaphore_mem>>)
        tpu.wait_dma2 semaphore(%run_scoped3A : memref<!tpu.dma_semaphore, #tpu.memory_space<semaphore_mem>>) src(%arg7 : memref<100x128xf32, #tpu.memory_space<hbm>>) dst(%arg20 : memref<100x128xf32, #tpu.memory_space<vmem_shared>>)
        tpu.yield
      }) : () -> ()
    } else {
    }
    "tpu.region"() ({
      %run_scoped3A = tpu.sem_alloc : memref<!tpu.dma_semaphore, #tpu.memory_space<semaphore_mem>>
      %dma_start3A_183 = arith.constant 0 : i32
      %dma_start3A_184 = arith.constant 0 : i32
      %dma_start3A_185 = tpu.memref_slice %arg2[%add3A, %dma_start3A_183, %dma_start3A_184] : memref<32x125x80xi32, #tpu.memory_space<hbm>> -> memref<1x125x80xi32, #tpu.memory_space<hbm>>
      %dma_start3A_186 = tpu.memref_squeeze %dma_start3A_185 : memref<1x125x80xi32, #tpu.memory_space<hbm>> -> memref<125x80xi32, #tpu.memory_space<hbm>>
      %dma_start3A_187 = arith.constant 0 : i32
      %dma_start3A_188 = arith.constant 0 : i32
      %dma_start3A_189 = tpu.memref_slice %arg2[%add3A, %dma_start3A_187, %dma_start3A_188] : memref<32x125x80xi32, #tpu.memory_space<hbm>> -> memref<1x125x80xi32, #tpu.memory_space<hbm>>
      %dma_start3A_190 = tpu.memref_squeeze %dma_start3A_189 : memref<1x125x80xi32, #tpu.memory_space<hbm>> -> memref<125x80xi32, #tpu.memory_space<hbm>>
      tpu.enqueue_dma source(%dma_start3A_190 : memref<125x80xi32, #tpu.memory_space<hbm>>) target(%arg9 : memref<125x80xi32, #tpu.memory_space<vmem>>) target_semaphore(%run_scoped3A : memref<!tpu.dma_semaphore, #tpu.memory_space<semaphore_mem>>)
      %dma_wait3A_191 = arith.constant 0 : i32
      %dma_wait3A_192 = arith.constant 0 : i32
      %dma_wait3A_193 = tpu.memref_slice %arg2[%add3A, %dma_wait3A_191, %dma_wait3A_192] : memref<32x125x80xi32, #tpu.memory_space<hbm>> -> memref<1x125x80xi32, #tpu.memory_space<hbm>>
      %dma_wait3A_194 = tpu.memref_squeeze %dma_wait3A_193 : memref<1x125x80xi32, #tpu.memory_space<hbm>> -> memref<125x80xi32, #tpu.memory_space<hbm>>
      %dma_wait3A_195 = arith.constant 0 : i32
      %dma_wait3A_196 = arith.constant 0 : i32
      %dma_wait3A_197 = tpu.memref_slice %arg2[%add3A, %dma_wait3A_195, %dma_wait3A_196] : memref<32x125x80xi32, #tpu.memory_space<hbm>> -> memref<1x125x80xi32, #tpu.memory_space<hbm>>
      %dma_wait3A_198 = tpu.memref_squeeze %dma_wait3A_197 : memref<1x125x80xi32, #tpu.memory_space<hbm>> -> memref<125x80xi32, #tpu.memory_space<hbm>>
      tpu.wait_dma2 semaphore(%run_scoped3A : memref<!tpu.dma_semaphore, #tpu.memory_space<semaphore_mem>>) src(%dma_wait3A_198 : memref<125x80xi32, #tpu.memory_space<hbm>>) dst(%arg9 : memref<125x80xi32, #tpu.memory_space<vmem>>)
      tpu.yield
    }) : () -> ()
    "tpu.region"() ({
      %run_scoped3A = tpu.sem_alloc : memref<!tpu.dma_semaphore, #tpu.memory_space<semaphore_mem>>
      %dma_start3A_183 = arith.constant 0 : i32
      %dma_start3A_184 = arith.constant 0 : i32
      %dma_start3A_185 = tpu.memref_slice %arg3[%add3A, %dma_start3A_183, %dma_start3A_184] : memref<32x125x80xi32, #tpu.memory_space<hbm>> -> memref<1x125x80xi32, #tpu.memory_space<hbm>>
      %dma_start3A_186 = tpu.memref_squeeze %dma_start3A_185 : memref<1x125x80xi32, #tpu.memory_space<hbm>> -> memref<125x80xi32, #tpu.memory_space<hbm>>
      %dma_start3A_187 = arith.constant 0 : i32
      %dma_start3A_188 = arith.constant 0 : i32
      %dma_start3A_189 = tpu.memref_slice %arg3[%add3A, %dma_start3A_187, %dma_start3A_188] : memref<32x125x80xi32, #tpu.memory_space<hbm>> -> memref<1x125x80xi32, #tpu.memory_space<hbm>>
      %dma_start3A_190 = tpu.memref_squeeze %dma_start3A_189 : memref<1x125x80xi32, #tpu.memory_space<hbm>> -> memref<125x80xi32, #tpu.memory_space<hbm>>
      tpu.enqueue_dma source(%dma_start3A_190 : memref<125x80xi32, #tpu.memory_space<hbm>>) target(%arg10 : memref<125x80xi32, #tpu.memory_space<vmem>>) target_semaphore(%run_scoped3A : memref<!tpu.dma_semaphore, #tpu.memory_space<semaphore_mem>>)
      %dma_wait3A_191 = arith.constant 0 : i32
      %dma_wait3A_192 = arith.constant 0 : i32
      %dma_wait3A_193 = tpu.memref_slice %arg3[%add3A, %dma_wait3A_191, %dma_wait3A_192] : memref<32x125x80xi32, #tpu.memory_space<hbm>> -> memref<1x125x80xi32, #tpu.memory_space<hbm>>
      %dma_wait3A_194 = tpu.memref_squeeze %dma_wait3A_193 : memref<1x125x80xi32, #tpu.memory_space<hbm>> -> memref<125x80xi32, #tpu.memory_space<hbm>>
      %dma_wait3A_195 = arith.constant 0 : i32
      %dma_wait3A_196 = arith.constant 0 : i32
      %dma_wait3A_197 = tpu.memref_slice %arg3[%add3A, %dma_wait3A_195, %dma_wait3A_196] : memref<32x125x80xi32, #tpu.memory_space<hbm>> -> memref<1x125x80xi32, #tpu.memory_space<hbm>>
      %dma_wait3A_198 = tpu.memref_squeeze %dma_wait3A_197 : memref<1x125x80xi32, #tpu.memory_space<hbm>> -> memref<125x80xi32, #tpu.memory_space<hbm>>
      tpu.wait_dma2 semaphore(%run_scoped3A : memref<!tpu.dma_semaphore, #tpu.memory_space<semaphore_mem>>) src(%dma_wait3A_198 : memref<125x80xi32, #tpu.memory_space<hbm>>) dst(%arg10 : memref<125x80xi32, #tpu.memory_space<vmem>>)
      tpu.yield
    }) : () -> ()
    "tpu.region"() ({
      %run_scoped3A = tpu.sem_alloc : memref<!tpu.dma_semaphore, #tpu.memory_space<semaphore_mem>>
      %dma_start3A_183 = arith.constant 0 : i32
      %dma_start3A_184 = arith.constant 0 : i32
      %dma_start3A_185 = tpu.memref_slice %arg4[%add3A, %dma_start3A_183, %dma_start3A_184] : memref<32x125x80xi32, #tpu.memory_space<hbm>> -> memref<1x125x80xi32, #tpu.memory_space<hbm>>
      %dma_start3A_186 = tpu.memref_squeeze %dma_start3A_185 : memref<1x125x80xi32, #tpu.memory_space<hbm>> -> memref<125x80xi32, #tpu.memory_space<hbm>>
      %dma_start3A_187 = arith.constant 0 : i32
      %dma_start3A_188 = arith.constant 0 : i32
      %dma_start3A_189 = tpu.memref_slice %arg4[%add3A, %dma_start3A_187, %dma_start3A_188] : memref<32x125x80xi32, #tpu.memory_space<hbm>> -> memref<1x125x80xi32, #tpu.memory_space<hbm>>
      %dma_start3A_190 = tpu.memref_squeeze %dma_start3A_189 : memref<1x125x80xi32, #tpu.memory_space<hbm>> -> memref<125x80xi32, #tpu.memory_space<hbm>>
      tpu.enqueue_dma source(%dma_start3A_190 : memref<125x80xi32, #tpu.memory_space<hbm>>) target(%arg11 : memref<125x80xi32, #tpu.memory_space<vmem>>) target_semaphore(%run_scoped3A : memref<!tpu.dma_semaphore, #tpu.memory_space<semaphore_mem>>)
      %dma_wait3A_191 = arith.constant 0 : i32
      %dma_wait3A_192 = arith.constant 0 : i32
      %dma_wait3A_193 = tpu.memref_slice %arg4[%add3A, %dma_wait3A_191, %dma_wait3A_192] : memref<32x125x80xi32, #tpu.memory_space<hbm>> -> memref<1x125x80xi32, #tpu.memory_space<hbm>>
      %dma_wait3A_194 = tpu.memref_squeeze %dma_wait3A_193 : memref<1x125x80xi32, #tpu.memory_space<hbm>> -> memref<125x80xi32, #tpu.memory_space<hbm>>
      %dma_wait3A_195 = arith.constant 0 : i32
      %dma_wait3A_196 = arith.constant 0 : i32
      %dma_wait3A_197 = tpu.memref_slice %arg4[%add3A, %dma_wait3A_195, %dma_wait3A_196] : memref<32x125x80xi32, #tpu.memory_space<hbm>> -> memref<1x125x80xi32, #tpu.memory_space<hbm>>
      %dma_wait3A_198 = tpu.memref_squeeze %dma_wait3A_197 : memref<1x125x80xi32, #tpu.memory_space<hbm>> -> memref<125x80xi32, #tpu.memory_space<hbm>>
      tpu.wait_dma2 semaphore(%run_scoped3A : memref<!tpu.dma_semaphore, #tpu.memory_space<semaphore_mem>>) src(%dma_wait3A_198 : memref<125x80xi32, #tpu.memory_space<hbm>>) dst(%arg11 : memref<125x80xi32, #tpu.memory_space<vmem>>)
      tpu.yield
    }) : () -> ()
    %barrier3A = arith.constant 0 : index
    tpu.barrier barrier_id(%barrier3A)
    %dma_start3A = arith.constant 0 : i32
    %dma_start3A_5 = arith.constant 0 : i32
    %dma_start3A_6 = tpu.memref_slice %arg9[%dma_start3A, %dma_start3A_5] : memref<125x80xi32, #tpu.memory_space<vmem>> -> memref<1x80xi32, #tpu.memory_space<vmem>>
    %dma_start3A_7 = tpu.memref_squeeze %dma_start3A_6 : memref<1x80xi32, #tpu.memory_space<vmem>> -> memref<80xi32, #tpu.memory_space<vmem>>
    %dma_start3A_8 = arith.constant 0 : i32
    %dma_start3A_9 = arith.constant 0 : i32
    %dma_start3A_10 = tpu.memref_slice %arg18[%dma_start3A_8, %dma_start3A_9] : memref<100x128xf32, #tpu.memory_space<vmem_shared>> -> memref<100x128xf32, #tpu.memory_space<vmem_shared>>
    tpu.enqueue_indirect_dma source(%dma_start3A_10 : memref<100x128xf32, #tpu.memory_space<vmem_shared>>) target(%arg12 : memref<80x128xf32, #tpu.memory_space<vmem>>) offsets(%dma_start3A_7 : memref<80xi32, #tpu.memory_space<vmem>>) semaphore(%arg21 : memref<!tpu.dma_semaphore, #tpu.memory_space<semaphore_mem>>)
    %dma_start3A_11 = arith.constant 0 : i32
    %dma_start3A_12 = arith.constant 0 : i32
    %dma_start3A_13 = tpu.memref_slice %arg10[%dma_start3A_11, %dma_start3A_12] : memref<125x80xi32, #tpu.memory_space<vmem>> -> memref<1x80xi32, #tpu.memory_space<vmem>>
    %dma_start3A_14 = tpu.memref_squeeze %dma_start3A_13 : memref<1x80xi32, #tpu.memory_space<vmem>> -> memref<80xi32, #tpu.memory_space<vmem>>
    %dma_start3A_15 = arith.constant 0 : i32
    %dma_start3A_16 = arith.constant 0 : i32
    %dma_start3A_17 = tpu.memref_slice %arg19[%dma_start3A_15, %dma_start3A_16] : memref<100x128xf32, #tpu.memory_space<vmem_shared>> -> memref<100x128xf32, #tpu.memory_space<vmem_shared>>
    tpu.enqueue_indirect_dma source(%dma_start3A_17 : memref<100x128xf32, #tpu.memory_space<vmem_shared>>) target(%arg14 : memref<80x128xf32, #tpu.memory_space<vmem>>) offsets(%dma_start3A_14 : memref<80xi32, #tpu.memory_space<vmem>>) semaphore(%arg21 : memref<!tpu.dma_semaphore, #tpu.memory_space<semaphore_mem>>)
    %dma_start3A_18 = arith.constant 0 : i32
    %dma_start3A_19 = arith.constant 0 : i32
    %dma_start3A_20 = tpu.memref_slice %arg11[%dma_start3A_18, %dma_start3A_19] : memref<125x80xi32, #tpu.memory_space<vmem>> -> memref<1x80xi32, #tpu.memory_space<vmem>>
    %dma_start3A_21 = tpu.memref_squeeze %dma_start3A_20 : memref<1x80xi32, #tpu.memory_space<vmem>> -> memref<80xi32, #tpu.memory_space<vmem>>
    %dma_start3A_22 = arith.constant 0 : i32
    %dma_start3A_23 = arith.constant 0 : i32
    %dma_start3A_24 = tpu.memref_slice %arg20[%dma_start3A_22, %dma_start3A_23] : memref<100x128xf32, #tpu.memory_space<vmem_shared>> -> memref<100x128xf32, #tpu.memory_space<vmem_shared>>
    tpu.enqueue_indirect_dma source(%dma_start3A_24 : memref<100x128xf32, #tpu.memory_space<vmem_shared>>) target(%arg16 : memref<80x128xf32, #tpu.memory_space<vmem>>) offsets(%dma_start3A_21 : memref<80xi32, #tpu.memory_space<vmem>>) semaphore(%arg21 : memref<!tpu.dma_semaphore, #tpu.memory_space<semaphore_mem>>)
    %dma_wait3A = arith.constant 0 : i32
    %dma_wait3A_25 = arith.constant 0 : i32
    %dma_wait3A_26 = tpu.memref_slice %arg9[%dma_wait3A, %dma_wait3A_25] : memref<125x80xi32, #tpu.memory_space<vmem>> -> memref<1x80xi32, #tpu.memory_space<vmem>>
    %dma_wait3A_27 = tpu.memref_squeeze %dma_wait3A_26 : memref<1x80xi32, #tpu.memory_space<vmem>> -> memref<80xi32, #tpu.memory_space<vmem>>
    %dma_wait3A_28 = arith.constant 0 : i32
    %dma_wait3A_29 = arith.constant 0 : i32
    %dma_wait3A_30 = tpu.memref_slice %arg18[%dma_wait3A_28, %dma_wait3A_29] : memref<100x128xf32, #tpu.memory_space<vmem_shared>> -> memref<100x128xf32, #tpu.memory_space<vmem_shared>>
    tpu.wait_indirect_dma semaphore(%arg21 : memref<!tpu.dma_semaphore, #tpu.memory_space<semaphore_mem>>) src(%dma_wait3A_30 : memref<100x128xf32, #tpu.memory_space<vmem_shared>>) dst(%arg12 : memref<80x128xf32, #tpu.memory_space<vmem>>)
    %dma_wait3A_31 = arith.constant 0 : i32
    %dma_wait3A_32 = arith.constant 0 : i32
    %dma_wait3A_33 = tpu.memref_slice %arg10[%dma_wait3A_31, %dma_wait3A_32] : memref<125x80xi32, #tpu.memory_space<vmem>> -> memref<1x80xi32, #tpu.memory_space<vmem>>
    %dma_wait3A_34 = tpu.memref_squeeze %dma_wait3A_33 : memref<1x80xi32, #tpu.memory_space<vmem>> -> memref<80xi32, #tpu.memory_space<vmem>>
    %dma_wait3A_35 = arith.constant 0 : i32
    %dma_wait3A_36 = arith.constant 0 : i32
    %dma_wait3A_37 = tpu.memref_slice %arg19[%dma_wait3A_35, %dma_wait3A_36] : memref<100x128xf32, #tpu.memory_space<vmem_shared>> -> memref<100x128xf32, #tpu.memory_space<vmem_shared>>
    tpu.wait_indirect_dma semaphore(%arg21 : memref<!tpu.dma_semaphore, #tpu.memory_space<semaphore_mem>>) src(%dma_wait3A_37 : memref<100x128xf32, #tpu.memory_space<vmem_shared>>) dst(%arg14 : memref<80x128xf32, #tpu.memory_space<vmem>>)
    %dma_wait3A_38 = arith.constant 0 : i32
    %dma_wait3A_39 = arith.constant 0 : i32
    %dma_wait3A_40 = tpu.memref_slice %arg11[%dma_wait3A_38, %dma_wait3A_39] : memref<125x80xi32, #tpu.memory_space<vmem>> -> memref<1x80xi32, #tpu.memory_space<vmem>>
    %dma_wait3A_41 = tpu.memref_squeeze %dma_wait3A_40 : memref<1x80xi32, #tpu.memory_space<vmem>> -> memref<80xi32, #tpu.memory_space<vmem>>
    %dma_wait3A_42 = arith.constant 0 : i32
    %dma_wait3A_43 = arith.constant 0 : i32
    %dma_wait3A_44 = tpu.memref_slice %arg20[%dma_wait3A_42, %dma_wait3A_43] : memref<100x128xf32, #tpu.memory_space<vmem_shared>> -> memref<100x128xf32, #tpu.memory_space<vmem_shared>>
    tpu.wait_indirect_dma semaphore(%arg21 : memref<!tpu.dma_semaphore, #tpu.memory_space<semaphore_mem>>) src(%dma_wait3A_44 : memref<100x128xf32, #tpu.memory_space<vmem_shared>>) dst(%arg16 : memref<80x128xf32, #tpu.memory_space<vmem>>)
    %dma_start3A_45 = arith.constant 1 : i32
    %dma_start3A_46 = arith.constant 0 : i32
    %dma_start3A_47 = tpu.memref_slice %arg9[%dma_start3A_45, %dma_start3A_46] : memref<125x80xi32, #tpu.memory_space<vmem>> -> memref<1x80xi32, #tpu.memory_space<vmem>>
    %dma_start3A_48 = tpu.memref_squeeze %dma_start3A_47 : memref<1x80xi32, #tpu.memory_space<vmem>> -> memref<80xi32, #tpu.memory_space<vmem>>
    %dma_start3A_49 = arith.constant 0 : i32
    %dma_start3A_50 = arith.constant 0 : i32
    %dma_start3A_51 = tpu.memref_slice %arg18[%dma_start3A_49, %dma_start3A_50] : memref<100x128xf32, #tpu.memory_space<vmem_shared>> -> memref<100x128xf32, #tpu.memory_space<vmem_shared>>
    tpu.enqueue_indirect_dma source(%dma_start3A_51 : memref<100x128xf32, #tpu.memory_space<vmem_shared>>) target(%arg13 : memref<80x128xf32, #tpu.memory_space<vmem>>) offsets(%dma_start3A_48 : memref<80xi32, #tpu.memory_space<vmem>>) semaphore(%arg22 : memref<!tpu.dma_semaphore, #tpu.memory_space<semaphore_mem>>)
    %dma_start3A_52 = arith.constant 1 : i32
    %dma_start3A_53 = arith.constant 0 : i32
    %dma_start3A_54 = tpu.memref_slice %arg10[%dma_start3A_52, %dma_start3A_53] : memref<125x80xi32, #tpu.memory_space<vmem>> -> memref<1x80xi32, #tpu.memory_space<vmem>>
    %dma_start3A_55 = tpu.memref_squeeze %dma_start3A_54 : memref<1x80xi32, #tpu.memory_space<vmem>> -> memref<80xi32, #tpu.memory_space<vmem>>
    %dma_start3A_56 = arith.constant 0 : i32
    %dma_start3A_57 = arith.constant 0 : i32
    %dma_start3A_58 = tpu.memref_slice %arg19[%dma_start3A_56, %dma_start3A_57] : memref<100x128xf32, #tpu.memory_space<vmem_shared>> -> memref<100x128xf32, #tpu.memory_space<vmem_shared>>
    tpu.enqueue_indirect_dma source(%dma_start3A_58 : memref<100x128xf32, #tpu.memory_space<vmem_shared>>) target(%arg15 : memref<80x128xf32, #tpu.memory_space<vmem>>) offsets(%dma_start3A_55 : memref<80xi32, #tpu.memory_space<vmem>>) semaphore(%arg22 : memref<!tpu.dma_semaphore, #tpu.memory_space<semaphore_mem>>)
    %dma_start3A_59 = arith.constant 1 : i32
    %dma_start3A_60 = arith.constant 0 : i32
    %dma_start3A_61 = tpu.memref_slice %arg11[%dma_start3A_59, %dma_start3A_60] : memref<125x80xi32, #tpu.memory_space<vmem>> -> memref<1x80xi32, #tpu.memory_space<vmem>>
    %dma_start3A_62 = tpu.memref_squeeze %dma_start3A_61 : memref<1x80xi32, #tpu.memory_space<vmem>> -> memref<80xi32, #tpu.memory_space<vmem>>
    %dma_start3A_63 = arith.constant 0 : i32
    %dma_start3A_64 = arith.constant 0 : i32
    %dma_start3A_65 = tpu.memref_slice %arg20[%dma_start3A_63, %dma_start3A_64] : memref<100x128xf32, #tpu.memory_space<vmem_shared>> -> memref<100x128xf32, #tpu.memory_space<vmem_shared>>
    tpu.enqueue_indirect_dma source(%dma_start3A_65 : memref<100x128xf32, #tpu.memory_space<vmem_shared>>) target(%arg17 : memref<80x128xf32, #tpu.memory_space<vmem>>) offsets(%dma_start3A_62 : memref<80xi32, #tpu.memory_space<vmem>>) semaphore(%arg22 : memref<!tpu.dma_semaphore, #tpu.memory_space<semaphore_mem>>)
    %parallel_loop3A = arith.constant 0 : i32
    %parallel_loop3A_66 = arith.constant 80 : i32
    %parallel_loop3A_67 = arith.constant 1 : i32
    scf.for %parallel_loop3A_183 = %parallel_loop3A to %parallel_loop3A_66 step %parallel_loop3A_67  : i32 {
      %parallel_loop3A_184 = arith.index_cast %parallel_loop3A_183 : i32 to index
      %parallel_loop3A_185 = arith.constant 0 : index
      %parallel_loop3A_186 = tpu.vector_load %arg14[%parallel_loop3A_184, %parallel_loop3A_185] {strides = array<i32>} : memref<80x128xf32, #tpu.memory_space<vmem>>, vector<16xf32>,
      %parallel_loop3A_187 = arith.index_cast %parallel_loop3A_183 : i32 to index
      %parallel_loop3A_188 = arith.constant 0 : index
      %parallel_loop3A_189 = tpu.vector_load %arg16[%parallel_loop3A_187, %parallel_loop3A_188] {strides = array<i32>} : memref<80x128xf32, #tpu.memory_space<vmem>>, vector<16xf32>,
      %parallel_loop3A_190 = arith.addf %parallel_loop3A_186, %parallel_loop3A_189 : vector<16xf32>
      %parallel_loop3A_191 = arith.index_cast %parallel_loop3A_183 : i32 to index
      %parallel_loop3A_192 = arith.constant 0 : index
      %parallel_loop3A_193 = tpu.vector_load %arg12[%parallel_loop3A_191, %parallel_loop3A_192] {strides = array<i32>} : memref<80x128xf32, #tpu.memory_space<vmem>>, vector<16xf32>,
      tpu.vector_store %arg12[%parallel_loop3A_191, %parallel_loop3A_192], %parallel_loop3A_190 {add = true, strides = array<i32>} : memref<80x128xf32, #tpu.memory_space<vmem>>, vector<16xf32>,
      %parallel_loop3A_194 = arith.index_cast %parallel_loop3A_183 : i32 to index
      %parallel_loop3A_195 = arith.constant 16 : index
      %parallel_loop3A_196 = tpu.vector_load %arg14[%parallel_loop3A_194, %parallel_loop3A_195] {strides = array<i32>} : memref<80x128xf32, #tpu.memory_space<vmem>>, vector<16xf32>,
      %parallel_loop3A_197 = arith.index_cast %parallel_loop3A_183 : i32 to index
      %parallel_loop3A_198 = arith.constant 16 : index
      %parallel_loop3A_199 = tpu.vector_load %arg16[%parallel_loop3A_197, %parallel_loop3A_198] {strides = array<i32>} : memref<80x128xf32, #tpu.memory_space<vmem>>, vector<16xf32>,
      %parallel_loop3A_200 = arith.addf %parallel_loop3A_196, %parallel_loop3A_199 : vector<16xf32>
      %parallel_loop3A_201 = arith.index_cast %parallel_loop3A_183 : i32 to index
      %parallel_loop3A_202 = arith.constant 16 : index
      %parallel_loop3A_203 = tpu.vector_load %arg12[%parallel_loop3A_201, %parallel_loop3A_202] {strides = array<i32>} : memref<80x128xf32, #tpu.memory_space<vmem>>, vector<16xf32>,
      tpu.vector_store %arg12[%parallel_loop3A_201, %parallel_loop3A_202], %parallel_loop3A_200 {add = true, strides = array<i32>} : memref<80x128xf32, #tpu.memory_space<vmem>>, vector<16xf32>,
      %parallel_loop3A_204 = arith.index_cast %parallel_loop3A_183 : i32 to index
      %parallel_loop3A_205 = arith.constant 32 : index
      %parallel_loop3A_206 = tpu.vector_load %arg14[%parallel_loop3A_204, %parallel_loop3A_205] {strides = array<i32>} : memref<80x128xf32, #tpu.memory_space<vmem>>, vector<16xf32>,
      %parallel_loop3A_207 = arith.index_cast %parallel_loop3A_183 : i32 to index
      %parallel_loop3A_208 = arith.constant 32 : index
      %parallel_loop3A_209 = tpu.vector_load %arg16[%parallel_loop3A_207, %parallel_loop3A_208] {strides = array<i32>} : memref<80x128xf32, #tpu.memory_space<vmem>>, vector<16xf32>,
      %parallel_loop3A_210 = arith.addf %parallel_loop3A_206, %parallel_loop3A_209 : vector<16xf32>
      %parallel_loop3A_211 = arith.index_cast %parallel_loop3A_183 : i32 to index
      %parallel_loop3A_212 = arith.constant 32 : index
      %parallel_loop3A_213 = tpu.vector_load %arg12[%parallel_loop3A_211, %parallel_loop3A_212] {strides = array<i32>} : memref<80x128xf32, #tpu.memory_space<vmem>>, vector<16xf32>,
      tpu.vector_store %arg12[%parallel_loop3A_211, %parallel_loop3A_212], %parallel_loop3A_210 {add = true, strides = array<i32>} : memref<80x128xf32, #tpu.memory_space<vmem>>, vector<16xf32>,
      %parallel_loop3A_214 = arith.index_cast %parallel_loop3A_183 : i32 to index
      %parallel_loop3A_215 = arith.constant 48 : index
      %parallel_loop3A_216 = tpu.vector_load %arg14[%parallel_loop3A_214, %parallel_loop3A_215] {strides = array<i32>} : memref<80x128xf32, #tpu.memory_space<vmem>>, vector<16xf32>,
      %parallel_loop3A_217 = arith.index_cast %parallel_loop3A_183 : i32 to index
      %parallel_loop3A_218 = arith.constant 48 : index
      %parallel_loop3A_219 = tpu.vector_load %arg16[%parallel_loop3A_217, %parallel_loop3A_218] {strides = array<i32>} : memref<80x128xf32, #tpu.memory_space<vmem>>, vector<16xf32>,
      %parallel_loop3A_220 = arith.addf %parallel_loop3A_216, %parallel_loop3A_219 : vector<16xf32>
      %parallel_loop3A_221 = arith.index_cast %parallel_loop3A_183 : i32 to index
      %parallel_loop3A_222 = arith.constant 48 : index
      %parallel_loop3A_223 = tpu.vector_load %arg12[%parallel_loop3A_221, %parallel_loop3A_222] {strides = array<i32>} : memref<80x128xf32, #tpu.memory_space<vmem>>, vector<16xf32>,
      tpu.vector_store %arg12[%parallel_loop3A_221, %parallel_loop3A_222], %parallel_loop3A_220 {add = true, strides = array<i32>} : memref<80x128xf32, #tpu.memory_space<vmem>>, vector<16xf32>,
      %parallel_loop3A_224 = arith.index_cast %parallel_loop3A_183 : i32 to index
      %parallel_loop3A_225 = arith.constant 64 : index
      %parallel_loop3A_226 = tpu.vector_load %arg14[%parallel_loop3A_224, %parallel_loop3A_225] {strides = array<i32>} : memref<80x128xf32, #tpu.memory_space<vmem>>, vector<16xf32>,
      %parallel_loop3A_227 = arith.index_cast %parallel_loop3A_183 : i32 to index
      %parallel_loop3A_228 = arith.constant 64 : index
      %parallel_loop3A_229 = tpu.vector_load %arg16[%parallel_loop3A_227, %parallel_loop3A_228] {strides = array<i32>} : memref<80x128xf32, #tpu.memory_space<vmem>>, vector<16xf32>,
      %parallel_loop3A_230 = arith.addf %parallel_loop3A_226, %parallel_loop3A_229 : vector<16xf32>
      %parallel_loop3A_231 = arith.index_cast %parallel_loop3A_183 : i32 to index
      %parallel_loop3A_232 = arith.constant 64 : index
      %parallel_loop3A_233 = tpu.vector_load %arg12[%parallel_loop3A_231, %parallel_loop3A_232] {strides = array<i32>} : memref<80x128xf32, #tpu.memory_space<vmem>>, vector<16xf32>,
      tpu.vector_store %arg12[%parallel_loop3A_231, %parallel_loop3A_232], %parallel_loop3A_230 {add = true, strides = array<i32>} : memref<80x128xf32, #tpu.memory_space<vmem>>, vector<16xf32>,
      %parallel_loop3A_234 = arith.index_cast %parallel_loop3A_183 : i32 to index
      %parallel_loop3A_235 = arith.constant 80 : index
      %parallel_loop3A_236 = tpu.vector_load %arg14[%parallel_loop3A_234, %parallel_loop3A_235] {strides = array<i32>} : memref<80x128xf32, #tpu.memory_space<vmem>>, vector<16xf32>,
      %parallel_loop3A_237 = arith.index_cast %parallel_loop3A_183 : i32 to index
      %parallel_loop3A_238 = arith.constant 80 : index
      %parallel_loop3A_239 = tpu.vector_load %arg16[%parallel_loop3A_237, %parallel_loop3A_238] {strides = array<i32>} : memref<80x128xf32, #tpu.memory_space<vmem>>, vector<16xf32>,
      %parallel_loop3A_240 = arith.addf %parallel_loop3A_236, %parallel_loop3A_239 : vector<16xf32>
      %parallel_loop3A_241 = arith.index_cast %parallel_loop3A_183 : i32 to index
      %parallel_loop3A_242 = arith.constant 80 : index
      %parallel_loop3A_243 = tpu.vector_load %arg12[%parallel_loop3A_241, %parallel_loop3A_242] {strides = array<i32>} : memref<80x128xf32, #tpu.memory_space<vmem>>, vector<16xf32>,
      tpu.vector_store %arg12[%parallel_loop3A_241, %parallel_loop3A_242], %parallel_loop3A_240 {add = true, strides = array<i32>} : memref<80x128xf32, #tpu.memory_space<vmem>>, vector<16xf32>,
      %parallel_loop3A_244 = arith.index_cast %parallel_loop3A_183 : i32 to index
      %parallel_loop3A_245 = arith.constant 96 : index
      %parallel_loop3A_246 = tpu.vector_load %arg14[%parallel_loop3A_244, %parallel_loop3A_245] {strides = array<i32>} : memref<80x128xf32, #tpu.memory_space<vmem>>, vector<16xf32>,
      %parallel_loop3A_247 = arith.index_cast %parallel_loop3A_183 : i32 to index
      %parallel_loop3A_248 = arith.constant 96 : index
      %parallel_loop3A_249 = tpu.vector_load %arg16[%parallel_loop3A_247, %parallel_loop3A_248] {strides = array<i32>} : memref<80x128xf32, #tpu.memory_space<vmem>>, vector<16xf32>,
      %parallel_loop3A_250 = arith.addf %parallel_loop3A_246, %parallel_loop3A_249 : vector<16xf32>
      %parallel_loop3A_251 = arith.index_cast %parallel_loop3A_183 : i32 to index
      %parallel_loop3A_252 = arith.constant 96 : index
      %parallel_loop3A_253 = tpu.vector_load %arg12[%parallel_loop3A_251, %parallel_loop3A_252] {strides = array<i32>} : memref<80x128xf32, #tpu.memory_space<vmem>>, vector<16xf32>,
      tpu.vector_store %arg12[%parallel_loop3A_251, %parallel_loop3A_252], %parallel_loop3A_250 {add = true, strides = array<i32>} : memref<80x128xf32, #tpu.memory_space<vmem>>, vector<16xf32>,
      %parallel_loop3A_254 = arith.index_cast %parallel_loop3A_183 : i32 to index
      %parallel_loop3A_255 = arith.constant 112 : index
      %parallel_loop3A_256 = tpu.vector_load %arg14[%parallel_loop3A_254, %parallel_loop3A_255] {strides = array<i32>} : memref<80x128xf32, #tpu.memory_space<vmem>>, vector<16xf32>,
      %parallel_loop3A_257 = arith.index_cast %parallel_loop3A_183 : i32 to index
      %parallel_loop3A_258 = arith.constant 112 : index
      %parallel_loop3A_259 = tpu.vector_load %arg16[%parallel_loop3A_257, %parallel_loop3A_258] {strides = array<i32>} : memref<80x128xf32, #tpu.memory_space<vmem>>, vector<16xf32>,
      %parallel_loop3A_260 = arith.addf %parallel_loop3A_256, %parallel_loop3A_259 : vector<16xf32>
      %parallel_loop3A_261 = arith.index_cast %parallel_loop3A_183 : i32 to index
      %parallel_loop3A_262 = arith.constant 112 : index
      %parallel_loop3A_263 = tpu.vector_load %arg12[%parallel_loop3A_261, %parallel_loop3A_262] {strides = array<i32>} : memref<80x128xf32, #tpu.memory_space<vmem>>, vector<16xf32>,
      tpu.vector_store %arg12[%parallel_loop3A_261, %parallel_loop3A_262], %parallel_loop3A_260 {add = true, strides = array<i32>} : memref<80x128xf32, #tpu.memory_space<vmem>>, vector<16xf32>,
    } {sc.loop_unroll_factor = 2 : i64, sc.parallel_access}
    %add3A_68 = arith.constant 0 : i32
    %add3A_69 = arith.addi %mul3A_2, %add3A_68 : i32
    %multiple_of3A = tpu.assume_multiple %add3A_69, 16 : i32
    %dma_start3A_70 = arith.constant 0 : i32
    %dma_start3A_71 = tpu.memref_slice %arg8[%multiple_of3A, %dma_start3A_70] : memref<320000x128xf32, #tpu.memory_space<hbm>> -> memref<80x128xf32, #tpu.memory_space<hbm>>
    %dma_start3A_72 = arith.constant 0 : i32
    %dma_start3A_73 = tpu.memref_slice %arg8[%multiple_of3A, %dma_start3A_72] : memref<320000x128xf32, #tpu.memory_space<hbm>> -> memref<80x128xf32, #tpu.memory_space<hbm>>
    tpu.enqueue_dma source(%arg12 : memref<80x128xf32, #tpu.memory_space<vmem>>) target(%dma_start3A_73 : memref<80x128xf32, #tpu.memory_space<hbm>>) target_semaphore(%arg23 : memref<!tpu.dma_semaphore, #tpu.memory_space<semaphore_mem>>)
    %scan3A = arith.constant 0 : i32
    %scan3A_74 = arith.constant 0 : i32
    %scan3A_75 = arith.constant 61 : i32
    %scan3A_76 = arith.addi %scan3A_74, %scan3A_75 : i32
    %scan3A_77 = arith.constant 1 : i32
    scf.for %scan3A_183 = %scan3A_74 to %scan3A_76 step %scan3A_77  : i32 {
      %mul3A_184 = arith.constant 2 : i32
      %mul3A_185 = arith.muli %mul3A_184, %scan3A_183 : i32
      %add3A_186 = arith.constant 1 : i32
      %add3A_187 = arith.addi %mul3A_185, %add3A_186 : i32
      %dma_wait3A_188 = arith.constant 0 : i32
      %dma_wait3A_189 = tpu.memref_slice %arg9[%add3A_187, %dma_wait3A_188] : memref<125x80xi32, #tpu.memory_space<vmem>> -> memref<1x80xi32, #tpu.memory_space<vmem>>
      %dma_wait3A_190 = tpu.memref_squeeze %dma_wait3A_189 : memref<1x80xi32, #tpu.memory_space<vmem>> -> memref<80xi32, #tpu.memory_space<vmem>>
      %dma_wait3A_191 = arith.constant 0 : i32
      %dma_wait3A_192 = arith.constant 0 : i32
      %dma_wait3A_193 = tpu.memref_slice %arg18[%dma_wait3A_191, %dma_wait3A_192] : memref<100x128xf32, #tpu.memory_space<vmem_shared>> -> memref<100x128xf32, #tpu.memory_space<vmem_shared>>
      tpu.wait_indirect_dma semaphore(%arg22 : memref<!tpu.dma_semaphore, #tpu.memory_space<semaphore_mem>>) src(%dma_wait3A_193 : memref<100x128xf32, #tpu.memory_space<vmem_shared>>) dst(%arg13 : memref<80x128xf32, #tpu.memory_space<vmem>>)
      %dma_wait3A_194 = arith.constant 0 : i32
      %dma_wait3A_195 = tpu.memref_slice %arg10[%add3A_187, %dma_wait3A_194] : memref<125x80xi32, #tpu.memory_space<vmem>> -> memref<1x80xi32, #tpu.memory_space<vmem>>
      %dma_wait3A_196 = tpu.memref_squeeze %dma_wait3A_195 : memref<1x80xi32, #tpu.memory_space<vmem>> -> memref<80xi32, #tpu.memory_space<vmem>>
      %dma_wait3A_197 = arith.constant 0 : i32
      %dma_wait3A_198 = arith.constant 0 : i32
      %dma_wait3A_199 = tpu.memref_slice %arg19[%dma_wait3A_197, %dma_wait3A_198] : memref<100x128xf32, #tpu.memory_space<vmem_shared>> -> memref<100x128xf32, #tpu.memory_space<vmem_shared>>
      tpu.wait_indirect_dma semaphore(%arg22 : memref<!tpu.dma_semaphore, #tpu.memory_space<semaphore_mem>>) src(%dma_wait3A_199 : memref<100x128xf32, #tpu.memory_space<vmem_shared>>) dst(%arg15 : memref<80x128xf32, #tpu.memory_space<vmem>>)
      %dma_wait3A_200 = arith.constant 0 : i32
      %dma_wait3A_201 = tpu.memref_slice %arg11[%add3A_187, %dma_wait3A_200] : memref<125x80xi32, #tpu.memory_space<vmem>> -> memref<1x80xi32, #tpu.memory_space<vmem>>
      %dma_wait3A_202 = tpu.memref_squeeze %dma_wait3A_201 : memref<1x80xi32, #tpu.memory_space<vmem>> -> memref<80xi32, #tpu.memory_space<vmem>>
      %dma_wait3A_203 = arith.constant 0 : i32
      %dma_wait3A_204 = arith.constant 0 : i32
      %dma_wait3A_205 = tpu.memref_slice %arg20[%dma_wait3A_203, %dma_wait3A_204] : memref<100x128xf32, #tpu.memory_space<vmem_shared>> -> memref<100x128xf32, #tpu.memory_space<vmem_shared>>
      tpu.wait_indirect_dma semaphore(%arg22 : memref<!tpu.dma_semaphore, #tpu.memory_space<semaphore_mem>>) src(%dma_wait3A_205 : memref<100x128xf32, #tpu.memory_space<vmem_shared>>) dst(%arg17 : memref<80x128xf32, #tpu.memory_space<vmem>>)
      %sub3A = arith.constant 1 : i32
      %sub3A_206 = arith.subi %add3A_187, %sub3A : i32
      %mul3A_207 = arith.constant 80 : i32
      %mul3A_208 = arith.muli %sub3A_206, %mul3A_207 : i32
      %add3A_209 = arith.addi %mul3A_2, %mul3A_208 : i32
      %multiple_of3A_210 = tpu.assume_multiple %add3A_209, 16 : i32
      %dma_wait3A_211 = arith.constant 0 : i32
      %dma_wait3A_212 = tpu.memref_slice %arg8[%multiple_of3A_210, %dma_wait3A_211] : memref<320000x128xf32, #tpu.memory_space<hbm>> -> memref<80x128xf32, #tpu.memory_space<hbm>>
      %dma_wait3A_213 = arith.constant 0 : i32
      %dma_wait3A_214 = tpu.memref_slice %arg8[%multiple_of3A_210, %dma_wait3A_213] : memref<320000x128xf32, #tpu.memory_space<hbm>> -> memref<80x128xf32, #tpu.memory_space<hbm>>
      tpu.wait_dma2 semaphore(%arg23 : memref<!tpu.dma_semaphore, #tpu.memory_space<semaphore_mem>>) src(%arg12 : memref<80x128xf32, #tpu.memory_space<vmem>>) dst(%dma_wait3A_214 : memref<80x128xf32, #tpu.memory_space<hbm>>)
      %add3A_215 = arith.constant 1 : i32
      %add3A_216 = arith.addi %add3A_187, %add3A_215 : i32
      %dma_start3A_217 = arith.constant 0 : i32
      %dma_start3A_218 = tpu.memref_slice %arg9[%add3A_216, %dma_start3A_217] : memref<125x80xi32, #tpu.memory_space<vmem>> -> memref<1x80xi32, #tpu.memory_space<vmem>>
      %dma_start3A_219 = tpu.memref_squeeze %dma_start3A_218 : memref<1x80xi32, #tpu.memory_space<vmem>> -> memref<80xi32, #tpu.memory_space<vmem>>
      %dma_start3A_220 = arith.constant 0 : i32
      %dma_start3A_221 = arith.constant 0 : i32
      %dma_start3A_222 = tpu.memref_slice %arg18[%dma_start3A_220, %dma_start3A_221] : memref<100x128xf32, #tpu.memory_space<vmem_shared>> -> memref<100x128xf32, #tpu.memory_space<vmem_shared>>
      tpu.enqueue_indirect_dma source(%dma_start3A_222 : memref<100x128xf32, #tpu.memory_space<vmem_shared>>) target(%arg12 : memref<80x128xf32, #tpu.memory_space<vmem>>) offsets(%dma_start3A_219 : memref<80xi32, #tpu.memory_space<vmem>>) semaphore(%arg21 : memref<!tpu.dma_semaphore, #tpu.memory_space<semaphore_mem>>)
      %dma_start3A_223 = arith.constant 0 : i32
      %dma_start3A_224 = tpu.memref_slice %arg10[%add3A_216, %dma_start3A_223] : memref<125x80xi32, #tpu.memory_space<vmem>> -> memref<1x80xi32, #tpu.memory_space<vmem>>
      %dma_start3A_225 = tpu.memref_squeeze %dma_start3A_224 : memref<1x80xi32, #tpu.memory_space<vmem>> -> memref<80xi32, #tpu.memory_space<vmem>>
      %dma_start3A_226 = arith.constant 0 : i32
      %dma_start3A_227 = arith.constant 0 : i32
      %dma_start3A_228 = tpu.memref_slice %arg19[%dma_start3A_226, %dma_start3A_227] : memref<100x128xf32, #tpu.memory_space<vmem_shared>> -> memref<100x128xf32, #tpu.memory_space<vmem_shared>>
      tpu.enqueue_indirect_dma source(%dma_start3A_228 : memref<100x128xf32, #tpu.memory_space<vmem_shared>>) target(%arg14 : memref<80x128xf32, #tpu.memory_space<vmem>>) offsets(%dma_start3A_225 : memref<80xi32, #tpu.memory_space<vmem>>) semaphore(%arg21 : memref<!tpu.dma_semaphore, #tpu.memory_space<semaphore_mem>>)
      %dma_start3A_229 = arith.constant 0 : i32
      %dma_start3A_230 = tpu.memref_slice %arg11[%add3A_216, %dma_start3A_229] : memref<125x80xi32, #tpu.memory_space<vmem>> -> memref<1x80xi32, #tpu.memory_space<vmem>>
      %dma_start3A_231 = tpu.memref_squeeze %dma_start3A_230 : memref<1x80xi32, #tpu.memory_space<vmem>> -> memref<80xi32, #tpu.memory_space<vmem>>
      %dma_start3A_232 = arith.constant 0 : i32
      %dma_start3A_233 = arith.constant 0 : i32
      %dma_start3A_234 = tpu.memref_slice %arg20[%dma_start3A_232, %dma_start3A_233] : memref<100x128xf32, #tpu.memory_space<vmem_shared>> -> memref<100x128xf32, #tpu.memory_space<vmem_shared>>
      tpu.enqueue_indirect_dma source(%dma_start3A_234 : memref<100x128xf32, #tpu.memory_space<vmem_shared>>) target(%arg16 : memref<80x128xf32, #tpu.memory_space<vmem>>) offsets(%dma_start3A_231 : memref<80xi32, #tpu.memory_space<vmem>>) semaphore(%arg21 : memref<!tpu.dma_semaphore, #tpu.memory_space<semaphore_mem>>)
      %parallel_loop3A_235 = arith.constant 0 : i32
      %parallel_loop3A_236 = arith.constant 80 : i32
      %parallel_loop3A_237 = arith.constant 1 : i32
      scf.for %parallel_loop3A_309 = %parallel_loop3A_235 to %parallel_loop3A_236 step %parallel_loop3A_237  : i32 {
        %parallel_loop3A_310 = arith.index_cast %parallel_loop3A_309 : i32 to index
        %parallel_loop3A_311 = arith.constant 0 : index
        %parallel_loop3A_312 = tpu.vector_load %arg15[%parallel_loop3A_310, %parallel_loop3A_311] {strides = array<i32>} : memref<80x128xf32, #tpu.memory_space<vmem>>, vector<16xf32>,
        %parallel_loop3A_313 = arith.index_cast %parallel_loop3A_309 : i32 to index
        %parallel_loop3A_314 = arith.constant 0 : index
        %parallel_loop3A_315 = tpu.vector_load %arg17[%parallel_loop3A_313, %parallel_loop3A_314] {strides = array<i32>} : memref<80x128xf32, #tpu.memory_space<vmem>>, vector<16xf32>,
        %parallel_loop3A_316 = arith.addf %parallel_loop3A_312, %parallel_loop3A_315 : vector<16xf32>
        %parallel_loop3A_317 = arith.index_cast %parallel_loop3A_309 : i32 to index
        %parallel_loop3A_318 = arith.constant 0 : index
        %parallel_loop3A_319 = tpu.vector_load %arg13[%parallel_loop3A_317, %parallel_loop3A_318] {strides = array<i32>} : memref<80x128xf32, #tpu.memory_space<vmem>>, vector<16xf32>,
        tpu.vector_store %arg13[%parallel_loop3A_317, %parallel_loop3A_318], %parallel_loop3A_316 {add = true, strides = array<i32>} : memref<80x128xf32, #tpu.memory_space<vmem>>, vector<16xf32>,
        %parallel_loop3A_320 = arith.index_cast %parallel_loop3A_309 : i32 to index
        %parallel_loop3A_321 = arith.constant 16 : index
        %parallel_loop3A_322 = tpu.vector_load %arg15[%parallel_loop3A_320, %parallel_loop3A_321] {strides = array<i32>} : memref<80x128xf32, #tpu.memory_space<vmem>>, vector<16xf32>,
        %parallel_loop3A_323 = arith.index_cast %parallel_loop3A_309 : i32 to index
        %parallel_loop3A_324 = arith.constant 16 : index
        %parallel_loop3A_325 = tpu.vector_load %arg17[%parallel_loop3A_323, %parallel_loop3A_324] {strides = array<i32>} : memref<80x128xf32, #tpu.memory_space<vmem>>, vector<16xf32>,
        %parallel_loop3A_326 = arith.addf %parallel_loop3A_322, %parallel_loop3A_325 : vector<16xf32>
        %parallel_loop3A_327 = arith.index_cast %parallel_loop3A_309 : i32 to index
        %parallel_loop3A_328 = arith.constant 16 : index
        %parallel_loop3A_329 = tpu.vector_load %arg13[%parallel_loop3A_327, %parallel_loop3A_328] {strides = array<i32>} : memref<80x128xf32, #tpu.memory_space<vmem>>, vector<16xf32>,
        tpu.vector_store %arg13[%parallel_loop3A_327, %parallel_loop3A_328], %parallel_loop3A_326 {add = true, strides = array<i32>} : memref<80x128xf32, #tpu.memory_space<vmem>>, vector<16xf32>,
        %parallel_loop3A_330 = arith.index_cast %parallel_loop3A_309 : i32 to index
        %parallel_loop3A_331 = arith.constant 32 : index
        %parallel_loop3A_332 = tpu.vector_load %arg15[%parallel_loop3A_330, %parallel_loop3A_331] {strides = array<i32>} : memref<80x128xf32, #tpu.memory_space<vmem>>, vector<16xf32>,
        %parallel_loop3A_333 = arith.index_cast %parallel_loop3A_309 : i32 to index
        %parallel_loop3A_334 = arith.constant 32 : index
        %parallel_loop3A_335 = tpu.vector_load %arg17[%parallel_loop3A_333, %parallel_loop3A_334] {strides = array<i32>} : memref<80x128xf32, #tpu.memory_space<vmem>>, vector<16xf32>,
        %parallel_loop3A_336 = arith.addf %parallel_loop3A_332, %parallel_loop3A_335 : vector<16xf32>
        %parallel_loop3A_337 = arith.index_cast %parallel_loop3A_309 : i32 to index
        %parallel_loop3A_338 = arith.constant 32 : index
        %parallel_loop3A_339 = tpu.vector_load %arg13[%parallel_loop3A_337, %parallel_loop3A_338] {strides = array<i32>} : memref<80x128xf32, #tpu.memory_space<vmem>>, vector<16xf32>,
        tpu.vector_store %arg13[%parallel_loop3A_337, %parallel_loop3A_338], %parallel_loop3A_336 {add = true, strides = array<i32>} : memref<80x128xf32, #tpu.memory_space<vmem>>, vector<16xf32>,
        %parallel_loop3A_340 = arith.index_cast %parallel_loop3A_309 : i32 to index
        %parallel_loop3A_341 = arith.constant 48 : index
        %parallel_loop3A_342 = tpu.vector_load %arg15[%parallel_loop3A_340, %parallel_loop3A_341] {strides = array<i32>} : memref<80x128xf32, #tpu.memory_space<vmem>>, vector<16xf32>,
        %parallel_loop3A_343 = arith.index_cast %parallel_loop3A_309 : i32 to index
        %parallel_loop3A_344 = arith.constant 48 : index
        %parallel_loop3A_345 = tpu.vector_load %arg17[%parallel_loop3A_343, %parallel_loop3A_344] {strides = array<i32>} : memref<80x128xf32, #tpu.memory_space<vmem>>, vector<16xf32>,
        %parallel_loop3A_346 = arith.addf %parallel_loop3A_342, %parallel_loop3A_345 : vector<16xf32>
        %parallel_loop3A_347 = arith.index_cast %parallel_loop3A_309 : i32 to index
        %parallel_loop3A_348 = arith.constant 48 : index
        %parallel_loop3A_349 = tpu.vector_load %arg13[%parallel_loop3A_347, %parallel_loop3A_348] {strides = array<i32>} : memref<80x128xf32, #tpu.memory_space<vmem>>, vector<16xf32>,
        tpu.vector_store %arg13[%parallel_loop3A_347, %parallel_loop3A_348], %parallel_loop3A_346 {add = true, strides = array<i32>} : memref<80x128xf32, #tpu.memory_space<vmem>>, vector<16xf32>,
        %parallel_loop3A_350 = arith.index_cast %parallel_loop3A_309 : i32 to index
        %parallel_loop3A_351 = arith.constant 64 : index
        %parallel_loop3A_352 = tpu.vector_load %arg15[%parallel_loop3A_350, %parallel_loop3A_351] {strides = array<i32>} : memref<80x128xf32, #tpu.memory_space<vmem>>, vector<16xf32>,
        %parallel_loop3A_353 = arith.index_cast %parallel_loop3A_309 : i32 to index
        %parallel_loop3A_354 = arith.constant 64 : index
        %parallel_loop3A_355 = tpu.vector_load %arg17[%parallel_loop3A_353, %parallel_loop3A_354] {strides = array<i32>} : memref<80x128xf32, #tpu.memory_space<vmem>>, vector<16xf32>,
        %parallel_loop3A_356 = arith.addf %parallel_loop3A_352, %parallel_loop3A_355 : vector<16xf32>
        %parallel_loop3A_357 = arith.index_cast %parallel_loop3A_309 : i32 to index
        %parallel_loop3A_358 = arith.constant 64 : index
        %parallel_loop3A_359 = tpu.vector_load %arg13[%parallel_loop3A_357, %parallel_loop3A_358] {strides = array<i32>} : memref<80x128xf32, #tpu.memory_space<vmem>>, vector<16xf32>,
        tpu.vector_store %arg13[%parallel_loop3A_357, %parallel_loop3A_358], %parallel_loop3A_356 {add = true, strides = array<i32>} : memref<80x128xf32, #tpu.memory_space<vmem>>, vector<16xf32>,
        %parallel_loop3A_360 = arith.index_cast %parallel_loop3A_309 : i32 to index
        %parallel_loop3A_361 = arith.constant 80 : index
        %parallel_loop3A_362 = tpu.vector_load %arg15[%parallel_loop3A_360, %parallel_loop3A_361] {strides = array<i32>} : memref<80x128xf32, #tpu.memory_space<vmem>>, vector<16xf32>,
        %parallel_loop3A_363 = arith.index_cast %parallel_loop3A_309 : i32 to index
        %parallel_loop3A_364 = arith.constant 80 : index
        %parallel_loop3A_365 = tpu.vector_load %arg17[%parallel_loop3A_363, %parallel_loop3A_364] {strides = array<i32>} : memref<80x128xf32, #tpu.memory_space<vmem>>, vector<16xf32>,
        %parallel_loop3A_366 = arith.addf %parallel_loop3A_362, %parallel_loop3A_365 : vector<16xf32>
        %parallel_loop3A_367 = arith.index_cast %parallel_loop3A_309 : i32 to index
        %parallel_loop3A_368 = arith.constant 80 : index
        %parallel_loop3A_369 = tpu.vector_load %arg13[%parallel_loop3A_367, %parallel_loop3A_368] {strides = array<i32>} : memref<80x128xf32, #tpu.memory_space<vmem>>, vector<16xf32>,
        tpu.vector_store %arg13[%parallel_loop3A_367, %parallel_loop3A_368], %parallel_loop3A_366 {add = true, strides = array<i32>} : memref<80x128xf32, #tpu.memory_space<vmem>>, vector<16xf32>,
        %parallel_loop3A_370 = arith.index_cast %parallel_loop3A_309 : i32 to index
        %parallel_loop3A_371 = arith.constant 96 : index
        %parallel_loop3A_372 = tpu.vector_load %arg15[%parallel_loop3A_370, %parallel_loop3A_371] {strides = array<i32>} : memref<80x128xf32, #tpu.memory_space<vmem>>, vector<16xf32>,
        %parallel_loop3A_373 = arith.index_cast %parallel_loop3A_309 : i32 to index
        %parallel_loop3A_374 = arith.constant 96 : index
        %parallel_loop3A_375 = tpu.vector_load %arg17[%parallel_loop3A_373, %parallel_loop3A_374] {strides = array<i32>} : memref<80x128xf32, #tpu.memory_space<vmem>>, vector<16xf32>,
        %parallel_loop3A_376 = arith.addf %parallel_loop3A_372, %parallel_loop3A_375 : vector<16xf32>
        %parallel_loop3A_377 = arith.index_cast %parallel_loop3A_309 : i32 to index
        %parallel_loop3A_378 = arith.constant 96 : index
        %parallel_loop3A_379 = tpu.vector_load %arg13[%parallel_loop3A_377, %parallel_loop3A_378] {strides = array<i32>} : memref<80x128xf32, #tpu.memory_space<vmem>>, vector<16xf32>,
        tpu.vector_store %arg13[%parallel_loop3A_377, %parallel_loop3A_378], %parallel_loop3A_376 {add = true, strides = array<i32>} : memref<80x128xf32, #tpu.memory_space<vmem>>, vector<16xf32>,
        %parallel_loop3A_380 = arith.index_cast %parallel_loop3A_309 : i32 to index
        %parallel_loop3A_381 = arith.constant 112 : index
        %parallel_loop3A_382 = tpu.vector_load %arg15[%parallel_loop3A_380, %parallel_loop3A_381] {strides = array<i32>} : memref<80x128xf32, #tpu.memory_space<vmem>>, vector<16xf32>,
        %parallel_loop3A_383 = arith.index_cast %parallel_loop3A_309 : i32 to index
        %parallel_loop3A_384 = arith.constant 112 : index
        %parallel_loop3A_385 = tpu.vector_load %arg17[%parallel_loop3A_383, %parallel_loop3A_384] {strides = array<i32>} : memref<80x128xf32, #tpu.memory_space<vmem>>, vector<16xf32>,
        %parallel_loop3A_386 = arith.addf %parallel_loop3A_382, %parallel_loop3A_385 : vector<16xf32>
        %parallel_loop3A_387 = arith.index_cast %parallel_loop3A_309 : i32 to index
        %parallel_loop3A_388 = arith.constant 112 : index
        %parallel_loop3A_389 = tpu.vector_load %arg13[%parallel_loop3A_387, %parallel_loop3A_388] {strides = array<i32>} : memref<80x128xf32, #tpu.memory_space<vmem>>, vector<16xf32>,
        tpu.vector_store %arg13[%parallel_loop3A_387, %parallel_loop3A_388], %parallel_loop3A_386 {add = true, strides = array<i32>} : memref<80x128xf32, #tpu.memory_space<vmem>>, vector<16xf32>,
      } {sc.loop_unroll_factor = 2 : i64, sc.parallel_access}
      %mul3A_238 = arith.constant 80 : i32
      %mul3A_239 = arith.muli %add3A_187, %mul3A_238 : i32
      %add3A_240 = arith.addi %mul3A_2, %mul3A_239 : i32
      %multiple_of3A_241 = tpu.assume_multiple %add3A_240, 16 : i32
      %dma_start3A_242 = arith.constant 0 : i32
      %dma_start3A_243 = tpu.memref_slice %arg8[%multiple_of3A_241, %dma_start3A_242] : memref<320000x128xf32, #tpu.memory_space<hbm>> -> memref<80x128xf32, #tpu.memory_space<hbm>>
      %dma_start3A_244 = arith.constant 0 : i32
      %dma_start3A_245 = tpu.memref_slice %arg8[%multiple_of3A_241, %dma_start3A_244] : memref<320000x128xf32, #tpu.memory_space<hbm>> -> memref<80x128xf32, #tpu.memory_space<hbm>>
      tpu.enqueue_dma source(%arg13 : memref<80x128xf32, #tpu.memory_space<vmem>>) target(%dma_start3A_245 : memref<80x128xf32, #tpu.memory_space<hbm>>) target_semaphore(%arg24 : memref<!tpu.dma_semaphore, #tpu.memory_space<semaphore_mem>>)
      %mul3A_246 = arith.constant 2 : i32
      %mul3A_247 = arith.muli %mul3A_246, %scan3A_183 : i32
      %add3A_248 = arith.constant 2 : i32
      %add3A_249 = arith.addi %mul3A_247, %add3A_248 : i32
      %dma_wait3A_250 = arith.constant 0 : i32
      %dma_wait3A_251 = tpu.memref_slice %arg9[%add3A_249, %dma_wait3A_250] : memref<125x80xi32, #tpu.memory_space<vmem>> -> memref<1x80xi32, #tpu.memory_space<vmem>>
      %dma_wait3A_252 = tpu.memref_squeeze %dma_wait3A_251 : memref<1x80xi32, #tpu.memory_space<vmem>> -> memref<80xi32, #tpu.memory_space<vmem>>
      %dma_wait3A_253 = arith.constant 0 : i32
      %dma_wait3A_254 = arith.constant 0 : i32
      %dma_wait3A_255 = tpu.memref_slice %arg18[%dma_wait3A_253, %dma_wait3A_254] : memref<100x128xf32, #tpu.memory_space<vmem_shared>> -> memref<100x128xf32, #tpu.memory_space<vmem_shared>>
      tpu.wait_indirect_dma semaphore(%arg21 : memref<!tpu.dma_semaphore, #tpu.memory_space<semaphore_mem>>) src(%dma_wait3A_255 : memref<100x128xf32, #tpu.memory_space<vmem_shared>>) dst(%arg12 : memref<80x128xf32, #tpu.memory_space<vmem>>)
      %dma_wait3A_256 = arith.constant 0 : i32
      %dma_wait3A_257 = tpu.memref_slice %arg10[%add3A_249, %dma_wait3A_256] : memref<125x80xi32, #tpu.memory_space<vmem>> -> memref<1x80xi32, #tpu.memory_space<vmem>>
      %dma_wait3A_258 = tpu.memref_squeeze %dma_wait3A_257 : memref<1x80xi32, #tpu.memory_space<vmem>> -> memref<80xi32, #tpu.memory_space<vmem>>
      %dma_wait3A_259 = arith.constant 0 : i32
      %dma_wait3A_260 = arith.constant 0 : i32
      %dma_wait3A_261 = tpu.memref_slice %arg19[%dma_wait3A_259, %dma_wait3A_260] : memref<100x128xf32, #tpu.memory_space<vmem_shared>> -> memref<100x128xf32, #tpu.memory_space<vmem_shared>>
      tpu.wait_indirect_dma semaphore(%arg21 : memref<!tpu.dma_semaphore, #tpu.memory_space<semaphore_mem>>) src(%dma_wait3A_261 : memref<100x128xf32, #tpu.memory_space<vmem_shared>>) dst(%arg14 : memref<80x128xf32, #tpu.memory_space<vmem>>)
      %dma_wait3A_262 = arith.constant 0 : i32
      %dma_wait3A_263 = tpu.memref_slice %arg11[%add3A_249, %dma_wait3A_262] : memref<125x80xi32, #tpu.memory_space<vmem>> -> memref<1x80xi32, #tpu.memory_space<vmem>>
      %dma_wait3A_264 = tpu.memref_squeeze %dma_wait3A_263 : memref<1x80xi32, #tpu.memory_space<vmem>> -> memref<80xi32, #tpu.memory_space<vmem>>
      %dma_wait3A_265 = arith.constant 0 : i32
      %dma_wait3A_266 = arith.constant 0 : i32
      %dma_wait3A_267 = tpu.memref_slice %arg20[%dma_wait3A_265, %dma_wait3A_266] : memref<100x128xf32, #tpu.memory_space<vmem_shared>> -> memref<100x128xf32, #tpu.memory_space<vmem_shared>>
      tpu.wait_indirect_dma semaphore(%arg21 : memref<!tpu.dma_semaphore, #tpu.memory_space<semaphore_mem>>) src(%dma_wait3A_267 : memref<100x128xf32, #tpu.memory_space<vmem_shared>>) dst(%arg16 : memref<80x128xf32, #tpu.memory_space<vmem>>)
      %sub3A_268 = arith.constant 1 : i32
      %sub3A_269 = arith.subi %add3A_249, %sub3A_268 : i32
      %mul3A_270 = arith.constant 80 : i32
      %mul3A_271 = arith.muli %sub3A_269, %mul3A_270 : i32
      %add3A_272 = arith.addi %mul3A_2, %mul3A_271 : i32
      %multiple_of3A_273 = tpu.assume_multiple %add3A_272, 16 : i32
      %dma_wait3A_274 = arith.constant 0 : i32
      %dma_wait3A_275 = tpu.memref_slice %arg8[%multiple_of3A_273, %dma_wait3A_274] : memref<320000x128xf32, #tpu.memory_space<hbm>> -> memref<80x128xf32, #tpu.memory_space<hbm>>
      %dma_wait3A_276 = arith.constant 0 : i32
      %dma_wait3A_277 = tpu.memref_slice %arg8[%multiple_of3A_273, %dma_wait3A_276] : memref<320000x128xf32, #tpu.memory_space<hbm>> -> memref<80x128xf32, #tpu.memory_space<hbm>>
      tpu.wait_dma2 semaphore(%arg24 : memref<!tpu.dma_semaphore, #tpu.memory_space<semaphore_mem>>) src(%arg13 : memref<80x128xf32, #tpu.memory_space<vmem>>) dst(%dma_wait3A_277 : memref<80x128xf32, #tpu.memory_space<hbm>>)
      %add3A_278 = arith.constant 1 : i32
      %add3A_279 = arith.addi %add3A_249, %add3A_278 : i32
      %dma_start3A_280 = arith.constant 0 : i32
      %dma_start3A_281 = tpu.memref_slice %arg9[%add3A_279, %dma_start3A_280] : memref<125x80xi32, #tpu.memory_space<vmem>> -> memref<1x80xi32, #tpu.memory_space<vmem>>
      %dma_start3A_282 = tpu.memref_squeeze %dma_start3A_281 : memref<1x80xi32, #tpu.memory_space<vmem>> -> memref<80xi32, #tpu.memory_space<vmem>>
      %dma_start3A_283 = arith.constant 0 : i32
      %dma_start3A_284 = arith.constant 0 : i32
      %dma_start3A_285 = tpu.memref_slice %arg18[%dma_start3A_283, %dma_start3A_284] : memref<100x128xf32, #tpu.memory_space<vmem_shared>> -> memref<100x128xf32, #tpu.memory_space<vmem_shared>>
      tpu.enqueue_indirect_dma source(%dma_start3A_285 : memref<100x128xf32, #tpu.memory_space<vmem_shared>>) target(%arg13 : memref<80x128xf32, #tpu.memory_space<vmem>>) offsets(%dma_start3A_282 : memref<80xi32, #tpu.memory_space<vmem>>) semaphore(%arg22 : memref<!tpu.dma_semaphore, #tpu.memory_space<semaphore_mem>>)
      %dma_start3A_286 = arith.constant 0 : i32
      %dma_start3A_287 = tpu.memref_slice %arg10[%add3A_279, %dma_start3A_286] : memref<125x80xi32, #tpu.memory_space<vmem>> -> memref<1x80xi32, #tpu.memory_space<vmem>>
      %dma_start3A_288 = tpu.memref_squeeze %dma_start3A_287 : memref<1x80xi32, #tpu.memory_space<vmem>> -> memref<80xi32, #tpu.memory_space<vmem>>
      %dma_start3A_289 = arith.constant 0 : i32
      %dma_start3A_290 = arith.constant 0 : i32
      %dma_start3A_291 = tpu.memref_slice %arg19[%dma_start3A_289, %dma_start3A_290] : memref<100x128xf32, #tpu.memory_space<vmem_shared>> -> memref<100x128xf32, #tpu.memory_space<vmem_shared>>
      tpu.enqueue_indirect_dma source(%dma_start3A_291 : memref<100x128xf32, #tpu.memory_space<vmem_shared>>) target(%arg15 : memref<80x128xf32, #tpu.memory_space<vmem>>) offsets(%dma_start3A_288 : memref<80xi32, #tpu.memory_space<vmem>>) semaphore(%arg22 : memref<!tpu.dma_semaphore, #tpu.memory_space<semaphore_mem>>)
      %dma_start3A_292 = arith.constant 0 : i32
      %dma_start3A_293 = tpu.memref_slice %arg11[%add3A_279, %dma_start3A_292] : memref<125x80xi32, #tpu.memory_space<vmem>> -> memref<1x80xi32, #tpu.memory_space<vmem>>
      %dma_start3A_294 = tpu.memref_squeeze %dma_start3A_293 : memref<1x80xi32, #tpu.memory_space<vmem>> -> memref<80xi32, #tpu.memory_space<vmem>>
      %dma_start3A_295 = arith.constant 0 : i32
      %dma_start3A_296 = arith.constant 0 : i32
      %dma_start3A_297 = tpu.memref_slice %arg20[%dma_start3A_295, %dma_start3A_296] : memref<100x128xf32, #tpu.memory_space<vmem_shared>> -> memref<100x128xf32, #tpu.memory_space<vmem_shared>>
      tpu.enqueue_indirect_dma source(%dma_start3A_297 : memref<100x128xf32, #tpu.memory_space<vmem_shared>>) target(%arg17 : memref<80x128xf32, #tpu.memory_space<vmem>>) offsets(%dma_start3A_294 : memref<80xi32, #tpu.memory_space<vmem>>) semaphore(%arg22 : memref<!tpu.dma_semaphore, #tpu.memory_space<semaphore_mem>>)
      %parallel_loop3A_298 = arith.constant 0 : i32
      %parallel_loop3A_299 = arith.constant 80 : i32
      %parallel_loop3A_300 = arith.constant 1 : i32
      scf.for %parallel_loop3A_309 = %parallel_loop3A_298 to %parallel_loop3A_299 step %parallel_loop3A_300  : i32 {
        %parallel_loop3A_310 = arith.index_cast %parallel_loop3A_309 : i32 to index
        %parallel_loop3A_311 = arith.constant 0 : index
        %parallel_loop3A_312 = tpu.vector_load %arg14[%parallel_loop3A_310, %parallel_loop3A_311] {strides = array<i32>} : memref<80x128xf32, #tpu.memory_space<vmem>>, vector<16xf32>,
        %parallel_loop3A_313 = arith.index_cast %parallel_loop3A_309 : i32 to index
        %parallel_loop3A_314 = arith.constant 0 : index
        %parallel_loop3A_315 = tpu.vector_load %arg16[%parallel_loop3A_313, %parallel_loop3A_314] {strides = array<i32>} : memref<80x128xf32, #tpu.memory_space<vmem>>, vector<16xf32>,
        %parallel_loop3A_316 = arith.addf %parallel_loop3A_312, %parallel_loop3A_315 : vector<16xf32>
        %parallel_loop3A_317 = arith.index_cast %parallel_loop3A_309 : i32 to index
        %parallel_loop3A_318 = arith.constant 0 : index
        %parallel_loop3A_319 = tpu.vector_load %arg12[%parallel_loop3A_317, %parallel_loop3A_318] {strides = array<i32>} : memref<80x128xf32, #tpu.memory_space<vmem>>, vector<16xf32>,
        tpu.vector_store %arg12[%parallel_loop3A_317, %parallel_loop3A_318], %parallel_loop3A_316 {add = true, strides = array<i32>} : memref<80x128xf32, #tpu.memory_space<vmem>>, vector<16xf32>,
        %parallel_loop3A_320 = arith.index_cast %parallel_loop3A_309 : i32 to index
        %parallel_loop3A_321 = arith.constant 16 : index
        %parallel_loop3A_322 = tpu.vector_load %arg14[%parallel_loop3A_320, %parallel_loop3A_321] {strides = array<i32>} : memref<80x128xf32, #tpu.memory_space<vmem>>, vector<16xf32>,
        %parallel_loop3A_323 = arith.index_cast %parallel_loop3A_309 : i32 to index
        %parallel_loop3A_324 = arith.constant 16 : index
        %parallel_loop3A_325 = tpu.vector_load %arg16[%parallel_loop3A_323, %parallel_loop3A_324] {strides = array<i32>} : memref<80x128xf32, #tpu.memory_space<vmem>>, vector<16xf32>,
        %parallel_loop3A_326 = arith.addf %parallel_loop3A_322, %parallel_loop3A_325 : vector<16xf32>
        %parallel_loop3A_327 = arith.index_cast %parallel_loop3A_309 : i32 to index
        %parallel_loop3A_328 = arith.constant 16 : index
        %parallel_loop3A_329 = tpu.vector_load %arg12[%parallel_loop3A_327, %parallel_loop3A_328] {strides = array<i32>} : memref<80x128xf32, #tpu.memory_space<vmem>>, vector<16xf32>,
        tpu.vector_store %arg12[%parallel_loop3A_327, %parallel_loop3A_328], %parallel_loop3A_326 {add = true, strides = array<i32>} : memref<80x128xf32, #tpu.memory_space<vmem>>, vector<16xf32>,
        %parallel_loop3A_330 = arith.index_cast %parallel_loop3A_309 : i32 to index
        %parallel_loop3A_331 = arith.constant 32 : index
        %parallel_loop3A_332 = tpu.vector_load %arg14[%parallel_loop3A_330, %parallel_loop3A_331] {strides = array<i32>} : memref<80x128xf32, #tpu.memory_space<vmem>>, vector<16xf32>,
        %parallel_loop3A_333 = arith.index_cast %parallel_loop3A_309 : i32 to index
        %parallel_loop3A_334 = arith.constant 32 : index
        %parallel_loop3A_335 = tpu.vector_load %arg16[%parallel_loop3A_333, %parallel_loop3A_334] {strides = array<i32>} : memref<80x128xf32, #tpu.memory_space<vmem>>, vector<16xf32>,
        %parallel_loop3A_336 = arith.addf %parallel_loop3A_332, %parallel_loop3A_335 : vector<16xf32>
        %parallel_loop3A_337 = arith.index_cast %parallel_loop3A_309 : i32 to index
        %parallel_loop3A_338 = arith.constant 32 : index
        %parallel_loop3A_339 = tpu.vector_load %arg12[%parallel_loop3A_337, %parallel_loop3A_338] {strides = array<i32>} : memref<80x128xf32, #tpu.memory_space<vmem>>, vector<16xf32>,
        tpu.vector_store %arg12[%parallel_loop3A_337, %parallel_loop3A_338], %parallel_loop3A_336 {add = true, strides = array<i32>} : memref<80x128xf32, #tpu.memory_space<vmem>>, vector<16xf32>,
        %parallel_loop3A_340 = arith.index_cast %parallel_loop3A_309 : i32 to index
        %parallel_loop3A_341 = arith.constant 48 : index
        %parallel_loop3A_342 = tpu.vector_load %arg14[%parallel_loop3A_340, %parallel_loop3A_341] {strides = array<i32>} : memref<80x128xf32, #tpu.memory_space<vmem>>, vector<16xf32>,
        %parallel_loop3A_343 = arith.index_cast %parallel_loop3A_309 : i32 to index
        %parallel_loop3A_344 = arith.constant 48 : index
        %parallel_loop3A_345 = tpu.vector_load %arg16[%parallel_loop3A_343, %parallel_loop3A_344] {strides = array<i32>} : memref<80x128xf32, #tpu.memory_space<vmem>>, vector<16xf32>,
        %parallel_loop3A_346 = arith.addf %parallel_loop3A_342, %parallel_loop3A_345 : vector<16xf32>
        %parallel_loop3A_347 = arith.index_cast %parallel_loop3A_309 : i32 to index
        %parallel_loop3A_348 = arith.constant 48 : index
        %parallel_loop3A_349 = tpu.vector_load %arg12[%parallel_loop3A_347, %parallel_loop3A_348] {strides = array<i32>} : memref<80x128xf32, #tpu.memory_space<vmem>>, vector<16xf32>,
        tpu.vector_store %arg12[%parallel_loop3A_347, %parallel_loop3A_348], %parallel_loop3A_346 {add = true, strides = array<i32>} : memref<80x128xf32, #tpu.memory_space<vmem>>, vector<16xf32>,
        %parallel_loop3A_350 = arith.index_cast %parallel_loop3A_309 : i32 to index
        %parallel_loop3A_351 = arith.constant 64 : index
        %parallel_loop3A_352 = tpu.vector_load %arg14[%parallel_loop3A_350, %parallel_loop3A_351] {strides = array<i32>} : memref<80x128xf32, #tpu.memory_space<vmem>>, vector<16xf32>,
        %parallel_loop3A_353 = arith.index_cast %parallel_loop3A_309 : i32 to index
        %parallel_loop3A_354 = arith.constant 64 : index
        %parallel_loop3A_355 = tpu.vector_load %arg16[%parallel_loop3A_353, %parallel_loop3A_354] {strides = array<i32>} : memref<80x128xf32, #tpu.memory_space<vmem>>, vector<16xf32>,
        %parallel_loop3A_356 = arith.addf %parallel_loop3A_352, %parallel_loop3A_355 : vector<16xf32>
        %parallel_loop3A_357 = arith.index_cast %parallel_loop3A_309 : i32 to index
        %parallel_loop3A_358 = arith.constant 64 : index
        %parallel_loop3A_359 = tpu.vector_load %arg12[%parallel_loop3A_357, %parallel_loop3A_358] {strides = array<i32>} : memref<80x128xf32, #tpu.memory_space<vmem>>, vector<16xf32>,
        tpu.vector_store %arg12[%parallel_loop3A_357, %parallel_loop3A_358], %parallel_loop3A_356 {add = true, strides = array<i32>} : memref<80x128xf32, #tpu.memory_space<vmem>>, vector<16xf32>,
        %parallel_loop3A_360 = arith.index_cast %parallel_loop3A_309 : i32 to index
        %parallel_loop3A_361 = arith.constant 80 : index
        %parallel_loop3A_362 = tpu.vector_load %arg14[%parallel_loop3A_360, %parallel_loop3A_361] {strides = array<i32>} : memref<80x128xf32, #tpu.memory_space<vmem>>, vector<16xf32>,
        %parallel_loop3A_363 = arith.index_cast %parallel_loop3A_309 : i32 to index
        %parallel_loop3A_364 = arith.constant 80 : index
        %parallel_loop3A_365 = tpu.vector_load %arg16[%parallel_loop3A_363, %parallel_loop3A_364] {strides = array<i32>} : memref<80x128xf32, #tpu.memory_space<vmem>>, vector<16xf32>,
        %parallel_loop3A_366 = arith.addf %parallel_loop3A_362, %parallel_loop3A_365 : vector<16xf32>
        %parallel_loop3A_367 = arith.index_cast %parallel_loop3A_309 : i32 to index
        %parallel_loop3A_368 = arith.constant 80 : index
        %parallel_loop3A_369 = tpu.vector_load %arg12[%parallel_loop3A_367, %parallel_loop3A_368] {strides = array<i32>} : memref<80x128xf32, #tpu.memory_space<vmem>>, vector<16xf32>,
        tpu.vector_store %arg12[%parallel_loop3A_367, %parallel_loop3A_368], %parallel_loop3A_366 {add = true, strides = array<i32>} : memref<80x128xf32, #tpu.memory_space<vmem>>, vector<16xf32>,
        %parallel_loop3A_370 = arith.index_cast %parallel_loop3A_309 : i32 to index
        %parallel_loop3A_371 = arith.constant 96 : index
        %parallel_loop3A_372 = tpu.vector_load %arg14[%parallel_loop3A_370, %parallel_loop3A_371] {strides = array<i32>} : memref<80x128xf32, #tpu.memory_space<vmem>>, vector<16xf32>,
        %parallel_loop3A_373 = arith.index_cast %parallel_loop3A_309 : i32 to index
        %parallel_loop3A_374 = arith.constant 96 : index
        %parallel_loop3A_375 = tpu.vector_load %arg16[%parallel_loop3A_373, %parallel_loop3A_374] {strides = array<i32>} : memref<80x128xf32, #tpu.memory_space<vmem>>, vector<16xf32>,
        %parallel_loop3A_376 = arith.addf %parallel_loop3A_372, %parallel_loop3A_375 : vector<16xf32>
        %parallel_loop3A_377 = arith.index_cast %parallel_loop3A_309 : i32 to index
        %parallel_loop3A_378 = arith.constant 96 : index
        %parallel_loop3A_379 = tpu.vector_load %arg12[%parallel_loop3A_377, %parallel_loop3A_378] {strides = array<i32>} : memref<80x128xf32, #tpu.memory_space<vmem>>, vector<16xf32>,
        tpu.vector_store %arg12[%parallel_loop3A_377, %parallel_loop3A_378], %parallel_loop3A_376 {add = true, strides = array<i32>} : memref<80x128xf32, #tpu.memory_space<vmem>>, vector<16xf32>,
        %parallel_loop3A_380 = arith.index_cast %parallel_loop3A_309 : i32 to index
        %parallel_loop3A_381 = arith.constant 112 : index
        %parallel_loop3A_382 = tpu.vector_load %arg14[%parallel_loop3A_380, %parallel_loop3A_381] {strides = array<i32>} : memref<80x128xf32, #tpu.memory_space<vmem>>, vector<16xf32>,
        %parallel_loop3A_383 = arith.index_cast %parallel_loop3A_309 : i32 to index
        %parallel_loop3A_384 = arith.constant 112 : index
        %parallel_loop3A_385 = tpu.vector_load %arg16[%parallel_loop3A_383, %parallel_loop3A_384] {strides = array<i32>} : memref<80x128xf32, #tpu.memory_space<vmem>>, vector<16xf32>,
        %parallel_loop3A_386 = arith.addf %parallel_loop3A_382, %parallel_loop3A_385 : vector<16xf32>
        %parallel_loop3A_387 = arith.index_cast %parallel_loop3A_309 : i32 to index
        %parallel_loop3A_388 = arith.constant 112 : index
        %parallel_loop3A_389 = tpu.vector_load %arg12[%parallel_loop3A_387, %parallel_loop3A_388] {strides = array<i32>} : memref<80x128xf32, #tpu.memory_space<vmem>>, vector<16xf32>,
        tpu.vector_store %arg12[%parallel_loop3A_387, %parallel_loop3A_388], %parallel_loop3A_386 {add = true, strides = array<i32>} : memref<80x128xf32, #tpu.memory_space<vmem>>, vector<16xf32>,
      } {sc.loop_unroll_factor = 2 : i64, sc.parallel_access}
      %mul3A_301 = arith.constant 80 : i32
      %mul3A_302 = arith.muli %add3A_249, %mul3A_301 : i32
      %add3A_303 = arith.addi %mul3A_2, %mul3A_302 : i32
      %multiple_of3A_304 = tpu.assume_multiple %add3A_303, 16 : i32
      %dma_start3A_305 = arith.constant 0 : i32
      %dma_start3A_306 = tpu.memref_slice %arg8[%multiple_of3A_304, %dma_start3A_305] : memref<320000x128xf32, #tpu.memory_space<hbm>> -> memref<80x128xf32, #tpu.memory_space<hbm>>
      %dma_start3A_307 = arith.constant 0 : i32
      %dma_start3A_308 = tpu.memref_slice %arg8[%multiple_of3A_304, %dma_start3A_307] : memref<320000x128xf32, #tpu.memory_space<hbm>> -> memref<80x128xf32, #tpu.memory_space<hbm>>
      tpu.enqueue_dma source(%arg12 : memref<80x128xf32, #tpu.memory_space<vmem>>) target(%dma_start3A_308 : memref<80x128xf32, #tpu.memory_space<hbm>>) target_semaphore(%arg23 : memref<!tpu.dma_semaphore, #tpu.memory_space<semaphore_mem>>)
    }
    %scan3A_78 = arith.constant 61 : i32
    %dma_wait3A_79 = arith.constant 123 : i32
    %dma_wait3A_80 = arith.constant 0 : i32
    %dma_wait3A_81 = tpu.memref_slice %arg9[%dma_wait3A_79, %dma_wait3A_80] : memref<125x80xi32, #tpu.memory_space<vmem>> -> memref<1x80xi32, #tpu.memory_space<vmem>>
    %dma_wait3A_82 = tpu.memref_squeeze %dma_wait3A_81 : memref<1x80xi32, #tpu.memory_space<vmem>> -> memref<80xi32, #tpu.memory_space<vmem>>
    %dma_wait3A_83 = arith.constant 0 : i32
    %dma_wait3A_84 = arith.constant 0 : i32
    %dma_wait3A_85 = tpu.memref_slice %arg18[%dma_wait3A_83, %dma_wait3A_84] : memref<100x128xf32, #tpu.memory_space<vmem_shared>> -> memref<100x128xf32, #tpu.memory_space<vmem_shared>>
    tpu.wait_indirect_dma semaphore(%arg22 : memref<!tpu.dma_semaphore, #tpu.memory_space<semaphore_mem>>) src(%dma_wait3A_85 : memref<100x128xf32, #tpu.memory_space<vmem_shared>>) dst(%arg13 : memref<80x128xf32, #tpu.memory_space<vmem>>)
    %dma_wait3A_86 = arith.constant 123 : i32
    %dma_wait3A_87 = arith.constant 0 : i32
    %dma_wait3A_88 = tpu.memref_slice %arg10[%dma_wait3A_86, %dma_wait3A_87] : memref<125x80xi32, #tpu.memory_space<vmem>> -> memref<1x80xi32, #tpu.memory_space<vmem>>
    %dma_wait3A_89 = tpu.memref_squeeze %dma_wait3A_88 : memref<1x80xi32, #tpu.memory_space<vmem>> -> memref<80xi32, #tpu.memory_space<vmem>>
    %dma_wait3A_90 = arith.constant 0 : i32
    %dma_wait3A_91 = arith.constant 0 : i32
    %dma_wait3A_92 = tpu.memref_slice %arg19[%dma_wait3A_90, %dma_wait3A_91] : memref<100x128xf32, #tpu.memory_space<vmem_shared>> -> memref<100x128xf32, #tpu.memory_space<vmem_shared>>
    tpu.wait_indirect_dma semaphore(%arg22 : memref<!tpu.dma_semaphore, #tpu.memory_space<semaphore_mem>>) src(%dma_wait3A_92 : memref<100x128xf32, #tpu.memory_space<vmem_shared>>) dst(%arg15 : memref<80x128xf32, #tpu.memory_space<vmem>>)
    %dma_wait3A_93 = arith.constant 123 : i32
    %dma_wait3A_94 = arith.constant 0 : i32
    %dma_wait3A_95 = tpu.memref_slice %arg11[%dma_wait3A_93, %dma_wait3A_94] : memref<125x80xi32, #tpu.memory_space<vmem>> -> memref<1x80xi32, #tpu.memory_space<vmem>>
    %dma_wait3A_96 = tpu.memref_squeeze %dma_wait3A_95 : memref<1x80xi32, #tpu.memory_space<vmem>> -> memref<80xi32, #tpu.memory_space<vmem>>
    %dma_wait3A_97 = arith.constant 0 : i32
    %dma_wait3A_98 = arith.constant 0 : i32
    %dma_wait3A_99 = tpu.memref_slice %arg20[%dma_wait3A_97, %dma_wait3A_98] : memref<100x128xf32, #tpu.memory_space<vmem_shared>> -> memref<100x128xf32, #tpu.memory_space<vmem_shared>>
    tpu.wait_indirect_dma semaphore(%arg22 : memref<!tpu.dma_semaphore, #tpu.memory_space<semaphore_mem>>) src(%dma_wait3A_99 : memref<100x128xf32, #tpu.memory_space<vmem_shared>>) dst(%arg17 : memref<80x128xf32, #tpu.memory_space<vmem>>)
    %add3A_100 = arith.constant 9760 : i32
    %add3A_101 = arith.addi %mul3A_2, %add3A_100 : i32
    %multiple_of3A_102 = tpu.assume_multiple %add3A_101, 16 : i32
    %dma_wait3A_103 = arith.constant 0 : i32
    %dma_wait3A_104 = tpu.memref_slice %arg8[%multiple_of3A_102, %dma_wait3A_103] : memref<320000x128xf32, #tpu.memory_space<hbm>> -> memref<80x128xf32, #tpu.memory_space<hbm>>
    %dma_wait3A_105 = arith.constant 0 : i32
    %dma_wait3A_106 = tpu.memref_slice %arg8[%multiple_of3A_102, %dma_wait3A_105] : memref<320000x128xf32, #tpu.memory_space<hbm>> -> memref<80x128xf32, #tpu.memory_space<hbm>>
    tpu.wait_dma2 semaphore(%arg23 : memref<!tpu.dma_semaphore, #tpu.memory_space<semaphore_mem>>) src(%arg12 : memref<80x128xf32, #tpu.memory_space<vmem>>) dst(%dma_wait3A_106 : memref<80x128xf32, #tpu.memory_space<hbm>>)
    %dma_start3A_107 = arith.constant 124 : i32
    %dma_start3A_108 = arith.constant 0 : i32
    %dma_start3A_109 = tpu.memref_slice %arg9[%dma_start3A_107, %dma_start3A_108] : memref<125x80xi32, #tpu.memory_space<vmem>> -> memref<1x80xi32, #tpu.memory_space<vmem>>
    %dma_start3A_110 = tpu.memref_squeeze %dma_start3A_109 : memref<1x80xi32, #tpu.memory_space<vmem>> -> memref<80xi32, #tpu.memory_space<vmem>>
    %dma_start3A_111 = arith.constant 0 : i32
    %dma_start3A_112 = arith.constant 0 : i32
    %dma_start3A_113 = tpu.memref_slice %arg18[%dma_start3A_111, %dma_start3A_112] : memref<100x128xf32, #tpu.memory_space<vmem_shared>> -> memref<100x128xf32, #tpu.memory_space<vmem_shared>>
    tpu.enqueue_indirect_dma source(%dma_start3A_113 : memref<100x128xf32, #tpu.memory_space<vmem_shared>>) target(%arg12 : memref<80x128xf32, #tpu.memory_space<vmem>>) offsets(%dma_start3A_110 : memref<80xi32, #tpu.memory_space<vmem>>) semaphore(%arg21 : memref<!tpu.dma_semaphore, #tpu.memory_space<semaphore_mem>>)
    %dma_start3A_114 = arith.constant 124 : i32
    %dma_start3A_115 = arith.constant 0 : i32
    %dma_start3A_116 = tpu.memref_slice %arg10[%dma_start3A_114, %dma_start3A_115] : memref<125x80xi32, #tpu.memory_space<vmem>> -> memref<1x80xi32, #tpu.memory_space<vmem>>
    %dma_start3A_117 = tpu.memref_squeeze %dma_start3A_116 : memref<1x80xi32, #tpu.memory_space<vmem>> -> memref<80xi32, #tpu.memory_space<vmem>>
    %dma_start3A_118 = arith.constant 0 : i32
    %dma_start3A_119 = arith.constant 0 : i32
    %dma_start3A_120 = tpu.memref_slice %arg19[%dma_start3A_118, %dma_start3A_119] : memref<100x128xf32, #tpu.memory_space<vmem_shared>> -> memref<100x128xf32, #tpu.memory_space<vmem_shared>>
    tpu.enqueue_indirect_dma source(%dma_start3A_120 : memref<100x128xf32, #tpu.memory_space<vmem_shared>>) target(%arg14 : memref<80x128xf32, #tpu.memory_space<vmem>>) offsets(%dma_start3A_117 : memref<80xi32, #tpu.memory_space<vmem>>) semaphore(%arg21 : memref<!tpu.dma_semaphore, #tpu.memory_space<semaphore_mem>>)
    %dma_start3A_121 = arith.constant 124 : i32
    %dma_start3A_122 = arith.constant 0 : i32
    %dma_start3A_123 = tpu.memref_slice %arg11[%dma_start3A_121, %dma_start3A_122] : memref<125x80xi32, #tpu.memory_space<vmem>> -> memref<1x80xi32, #tpu.memory_space<vmem>>
    %dma_start3A_124 = tpu.memref_squeeze %dma_start3A_123 : memref<1x80xi32, #tpu.memory_space<vmem>> -> memref<80xi32, #tpu.memory_space<vmem>>
    %dma_start3A_125 = arith.constant 0 : i32
    %dma_start3A_126 = arith.constant 0 : i32
    %dma_start3A_127 = tpu.memref_slice %arg20[%dma_start3A_125, %dma_start3A_126] : memref<100x128xf32, #tpu.memory_space<vmem_shared>> -> memref<100x128xf32, #tpu.memory_space<vmem_shared>>
    tpu.enqueue_indirect_dma source(%dma_start3A_127 : memref<100x128xf32, #tpu.memory_space<vmem_shared>>) target(%arg16 : memref<80x128xf32, #tpu.memory_space<vmem>>) offsets(%dma_start3A_124 : memref<80xi32, #tpu.memory_space<vmem>>) semaphore(%arg21 : memref<!tpu.dma_semaphore, #tpu.memory_space<semaphore_mem>>)
    %parallel_loop3A_128 = arith.constant 0 : i32
    %parallel_loop3A_129 = arith.constant 80 : i32
    %parallel_loop3A_130 = arith.constant 1 : i32
    scf.for %parallel_loop3A_183 = %parallel_loop3A_128 to %parallel_loop3A_129 step %parallel_loop3A_130  : i32 {
      %parallel_loop3A_184 = arith.index_cast %parallel_loop3A_183 : i32 to index
      %parallel_loop3A_185 = arith.constant 0 : index
      %parallel_loop3A_186 = tpu.vector_load %arg15[%parallel_loop3A_184, %parallel_loop3A_185] {strides = array<i32>} : memref<80x128xf32, #tpu.memory_space<vmem>>, vector<16xf32>,
      %parallel_loop3A_187 = arith.index_cast %parallel_loop3A_183 : i32 to index
      %parallel_loop3A_188 = arith.constant 0 : index
      %parallel_loop3A_189 = tpu.vector_load %arg17[%parallel_loop3A_187, %parallel_loop3A_188] {strides = array<i32>} : memref<80x128xf32, #tpu.memory_space<vmem>>, vector<16xf32>,
      %parallel_loop3A_190 = arith.addf %parallel_loop3A_186, %parallel_loop3A_189 : vector<16xf32>
      %parallel_loop3A_191 = arith.index_cast %parallel_loop3A_183 : i32 to index
      %parallel_loop3A_192 = arith.constant 0 : index
      %parallel_loop3A_193 = tpu.vector_load %arg13[%parallel_loop3A_191, %parallel_loop3A_192] {strides = array<i32>} : memref<80x128xf32, #tpu.memory_space<vmem>>, vector<16xf32>,
      tpu.vector_store %arg13[%parallel_loop3A_191, %parallel_loop3A_192], %parallel_loop3A_190 {add = true, strides = array<i32>} : memref<80x128xf32, #tpu.memory_space<vmem>>, vector<16xf32>,
      %parallel_loop3A_194 = arith.index_cast %parallel_loop3A_183 : i32 to index
      %parallel_loop3A_195 = arith.constant 16 : index
      %parallel_loop3A_196 = tpu.vector_load %arg15[%parallel_loop3A_194, %parallel_loop3A_195] {strides = array<i32>} : memref<80x128xf32, #tpu.memory_space<vmem>>, vector<16xf32>,
      %parallel_loop3A_197 = arith.index_cast %parallel_loop3A_183 : i32 to index
      %parallel_loop3A_198 = arith.constant 16 : index
      %parallel_loop3A_199 = tpu.vector_load %arg17[%parallel_loop3A_197, %parallel_loop3A_198] {strides = array<i32>} : memref<80x128xf32, #tpu.memory_space<vmem>>, vector<16xf32>,
      %parallel_loop3A_200 = arith.addf %parallel_loop3A_196, %parallel_loop3A_199 : vector<16xf32>
      %parallel_loop3A_201 = arith.index_cast %parallel_loop3A_183 : i32 to index
      %parallel_loop3A_202 = arith.constant 16 : index
      %parallel_loop3A_203 = tpu.vector_load %arg13[%parallel_loop3A_201, %parallel_loop3A_202] {strides = array<i32>} : memref<80x128xf32, #tpu.memory_space<vmem>>, vector<16xf32>,
      tpu.vector_store %arg13[%parallel_loop3A_201, %parallel_loop3A_202], %parallel_loop3A_200 {add = true, strides = array<i32>} : memref<80x128xf32, #tpu.memory_space<vmem>>, vector<16xf32>,
      %parallel_loop3A_204 = arith.index_cast %parallel_loop3A_183 : i32 to index
      %parallel_loop3A_205 = arith.constant 32 : index
      %parallel_loop3A_206 = tpu.vector_load %arg15[%parallel_loop3A_204, %parallel_loop3A_205] {strides = array<i32>} : memref<80x128xf32, #tpu.memory_space<vmem>>, vector<16xf32>,
      %parallel_loop3A_207 = arith.index_cast %parallel_loop3A_183 : i32 to index
      %parallel_loop3A_208 = arith.constant 32 : index
      %parallel_loop3A_209 = tpu.vector_load %arg17[%parallel_loop3A_207, %parallel_loop3A_208] {strides = array<i32>} : memref<80x128xf32, #tpu.memory_space<vmem>>, vector<16xf32>,
      %parallel_loop3A_210 = arith.addf %parallel_loop3A_206, %parallel_loop3A_209 : vector<16xf32>
      %parallel_loop3A_211 = arith.index_cast %parallel_loop3A_183 : i32 to index
      %parallel_loop3A_212 = arith.constant 32 : index
      %parallel_loop3A_213 = tpu.vector_load %arg13[%parallel_loop3A_211, %parallel_loop3A_212] {strides = array<i32>} : memref<80x128xf32, #tpu.memory_space<vmem>>, vector<16xf32>,
      tpu.vector_store %arg13[%parallel_loop3A_211, %parallel_loop3A_212], %parallel_loop3A_210 {add = true, strides = array<i32>} : memref<80x128xf32, #tpu.memory_space<vmem>>, vector<16xf32>,
      %parallel_loop3A_214 = arith.index_cast %parallel_loop3A_183 : i32 to index
      %parallel_loop3A_215 = arith.constant 48 : index
      %parallel_loop3A_216 = tpu.vector_load %arg15[%parallel_loop3A_214, %parallel_loop3A_215] {strides = array<i32>} : memref<80x128xf32, #tpu.memory_space<vmem>>, vector<16xf32>,
      %parallel_loop3A_217 = arith.index_cast %parallel_loop3A_183 : i32 to index
      %parallel_loop3A_218 = arith.constant 48 : index
      %parallel_loop3A_219 = tpu.vector_load %arg17[%parallel_loop3A_217, %parallel_loop3A_218] {strides = array<i32>} : memref<80x128xf32, #tpu.memory_space<vmem>>, vector<16xf32>,
      %parallel_loop3A_220 = arith.addf %parallel_loop3A_216, %parallel_loop3A_219 : vector<16xf32>
      %parallel_loop3A_221 = arith.index_cast %parallel_loop3A_183 : i32 to index
      %parallel_loop3A_222 = arith.constant 48 : index
      %parallel_loop3A_223 = tpu.vector_load %arg13[%parallel_loop3A_221, %parallel_loop3A_222] {strides = array<i32>} : memref<80x128xf32, #tpu.memory_space<vmem>>, vector<16xf32>,
      tpu.vector_store %arg13[%parallel_loop3A_221, %parallel_loop3A_222], %parallel_loop3A_220 {add = true, strides = array<i32>} : memref<80x128xf32, #tpu.memory_space<vmem>>, vector<16xf32>,
      %parallel_loop3A_224 = arith.index_cast %parallel_loop3A_183 : i32 to index
      %parallel_loop3A_225 = arith.constant 64 : index
      %parallel_loop3A_226 = tpu.vector_load %arg15[%parallel_loop3A_224, %parallel_loop3A_225] {strides = array<i32>} : memref<80x128xf32, #tpu.memory_space<vmem>>, vector<16xf32>,
      %parallel_loop3A_227 = arith.index_cast %parallel_loop3A_183 : i32 to index
      %parallel_loop3A_228 = arith.constant 64 : index
      %parallel_loop3A_229 = tpu.vector_load %arg17[%parallel_loop3A_227, %parallel_loop3A_228] {strides = array<i32>} : memref<80x128xf32, #tpu.memory_space<vmem>>, vector<16xf32>,
      %parallel_loop3A_230 = arith.addf %parallel_loop3A_226, %parallel_loop3A_229 : vector<16xf32>
      %parallel_loop3A_231 = arith.index_cast %parallel_loop3A_183 : i32 to index
      %parallel_loop3A_232 = arith.constant 64 : index
      %parallel_loop3A_233 = tpu.vector_load %arg13[%parallel_loop3A_231, %parallel_loop3A_232] {strides = array<i32>} : memref<80x128xf32, #tpu.memory_space<vmem>>, vector<16xf32>,
      tpu.vector_store %arg13[%parallel_loop3A_231, %parallel_loop3A_232], %parallel_loop3A_230 {add = true, strides = array<i32>} : memref<80x128xf32, #tpu.memory_space<vmem>>, vector<16xf32>,
      %parallel_loop3A_234 = arith.index_cast %parallel_loop3A_183 : i32 to index
      %parallel_loop3A_235 = arith.constant 80 : index
      %parallel_loop3A_236 = tpu.vector_load %arg15[%parallel_loop3A_234, %parallel_loop3A_235] {strides = array<i32>} : memref<80x128xf32, #tpu.memory_space<vmem>>, vector<16xf32>,
      %parallel_loop3A_237 = arith.index_cast %parallel_loop3A_183 : i32 to index
      %parallel_loop3A_238 = arith.constant 80 : index
      %parallel_loop3A_239 = tpu.vector_load %arg17[%parallel_loop3A_237, %parallel_loop3A_238] {strides = array<i32>} : memref<80x128xf32, #tpu.memory_space<vmem>>, vector<16xf32>,
      %parallel_loop3A_240 = arith.addf %parallel_loop3A_236, %parallel_loop3A_239 : vector<16xf32>
      %parallel_loop3A_241 = arith.index_cast %parallel_loop3A_183 : i32 to index
      %parallel_loop3A_242 = arith.constant 80 : index
      %parallel_loop3A_243 = tpu.vector_load %arg13[%parallel_loop3A_241, %parallel_loop3A_242] {strides = array<i32>} : memref<80x128xf32, #tpu.memory_space<vmem>>, vector<16xf32>,
      tpu.vector_store %arg13[%parallel_loop3A_241, %parallel_loop3A_242], %parallel_loop3A_240 {add = true, strides = array<i32>} : memref<80x128xf32, #tpu.memory_space<vmem>>, vector<16xf32>,
      %parallel_loop3A_244 = arith.index_cast %parallel_loop3A_183 : i32 to index
      %parallel_loop3A_245 = arith.constant 96 : index
      %parallel_loop3A_246 = tpu.vector_load %arg15[%parallel_loop3A_244, %parallel_loop3A_245] {strides = array<i32>} : memref<80x128xf32, #tpu.memory_space<vmem>>, vector<16xf32>,
      %parallel_loop3A_247 = arith.index_cast %parallel_loop3A_183 : i32 to index
      %parallel_loop3A_248 = arith.constant 96 : index
      %parallel_loop3A_249 = tpu.vector_load %arg17[%parallel_loop3A_247, %parallel_loop3A_248] {strides = array<i32>} : memref<80x128xf32, #tpu.memory_space<vmem>>, vector<16xf32>,
      %parallel_loop3A_250 = arith.addf %parallel_loop3A_246, %parallel_loop3A_249 : vector<16xf32>
      %parallel_loop3A_251 = arith.index_cast %parallel_loop3A_183 : i32 to index
      %parallel_loop3A_252 = arith.constant 96 : index
      %parallel_loop3A_253 = tpu.vector_load %arg13[%parallel_loop3A_251, %parallel_loop3A_252] {strides = array<i32>} : memref<80x128xf32, #tpu.memory_space<vmem>>, vector<16xf32>,
      tpu.vector_store %arg13[%parallel_loop3A_251, %parallel_loop3A_252], %parallel_loop3A_250 {add = true, strides = array<i32>} : memref<80x128xf32, #tpu.memory_space<vmem>>, vector<16xf32>,
      %parallel_loop3A_254 = arith.index_cast %parallel_loop3A_183 : i32 to index
      %parallel_loop3A_255 = arith.constant 112 : index
      %parallel_loop3A_256 = tpu.vector_load %arg15[%parallel_loop3A_254, %parallel_loop3A_255] {strides = array<i32>} : memref<80x128xf32, #tpu.memory_space<vmem>>, vector<16xf32>,
      %parallel_loop3A_257 = arith.index_cast %parallel_loop3A_183 : i32 to index
      %parallel_loop3A_258 = arith.constant 112 : index
      %parallel_loop3A_259 = tpu.vector_load %arg17[%parallel_loop3A_257, %parallel_loop3A_258] {strides = array<i32>} : memref<80x128xf32, #tpu.memory_space<vmem>>, vector<16xf32>,
      %parallel_loop3A_260 = arith.addf %parallel_loop3A_256, %parallel_loop3A_259 : vector<16xf32>
      %parallel_loop3A_261 = arith.index_cast %parallel_loop3A_183 : i32 to index
      %parallel_loop3A_262 = arith.constant 112 : index
      %parallel_loop3A_263 = tpu.vector_load %arg13[%parallel_loop3A_261, %parallel_loop3A_262] {strides = array<i32>} : memref<80x128xf32, #tpu.memory_space<vmem>>, vector<16xf32>,
      tpu.vector_store %arg13[%parallel_loop3A_261, %parallel_loop3A_262], %parallel_loop3A_260 {add = true, strides = array<i32>} : memref<80x128xf32, #tpu.memory_space<vmem>>, vector<16xf32>,
    } {sc.loop_unroll_factor = 2 : i64, sc.parallel_access}
    %add3A_131 = arith.constant 9840 : i32
    %add3A_132 = arith.addi %mul3A_2, %add3A_131 : i32
    %multiple_of3A_133 = tpu.assume_multiple %add3A_132, 16 : i32
    %dma_start3A_134 = arith.constant 0 : i32
    %dma_start3A_135 = tpu.memref_slice %arg8[%multiple_of3A_133, %dma_start3A_134] : memref<320000x128xf32, #tpu.memory_space<hbm>> -> memref<80x128xf32, #tpu.memory_space<hbm>>
    %dma_start3A_136 = arith.constant 0 : i32
    %dma_start3A_137 = tpu.memref_slice %arg8[%multiple_of3A_133, %dma_start3A_136] : memref<320000x128xf32, #tpu.memory_space<hbm>> -> memref<80x128xf32, #tpu.memory_space<hbm>>
    tpu.enqueue_dma source(%arg13 : memref<80x128xf32, #tpu.memory_space<vmem>>) target(%dma_start3A_137 : memref<80x128xf32, #tpu.memory_space<hbm>>) target_semaphore(%arg24 : memref<!tpu.dma_semaphore, #tpu.memory_space<semaphore_mem>>)
    %dma_wait3A_138 = arith.constant 124 : i32
    %dma_wait3A_139 = arith.constant 0 : i32
    %dma_wait3A_140 = tpu.memref_slice %arg9[%dma_wait3A_138, %dma_wait3A_139] : memref<125x80xi32, #tpu.memory_space<vmem>> -> memref<1x80xi32, #tpu.memory_space<vmem>>
    %dma_wait3A_141 = tpu.memref_squeeze %dma_wait3A_140 : memref<1x80xi32, #tpu.memory_space<vmem>> -> memref<80xi32, #tpu.memory_space<vmem>>
    %dma_wait3A_142 = arith.constant 0 : i32
    %dma_wait3A_143 = arith.constant 0 : i32
    %dma_wait3A_144 = tpu.memref_slice %arg18[%dma_wait3A_142, %dma_wait3A_143] : memref<100x128xf32, #tpu.memory_space<vmem_shared>> -> memref<100x128xf32, #tpu.memory_space<vmem_shared>>
    tpu.wait_indirect_dma semaphore(%arg21 : memref<!tpu.dma_semaphore, #tpu.memory_space<semaphore_mem>>) src(%dma_wait3A_144 : memref<100x128xf32, #tpu.memory_space<vmem_shared>>) dst(%arg12 : memref<80x128xf32, #tpu.memory_space<vmem>>)
    %dma_wait3A_145 = arith.constant 124 : i32
    %dma_wait3A_146 = arith.constant 0 : i32
    %dma_wait3A_147 = tpu.memref_slice %arg10[%dma_wait3A_145, %dma_wait3A_146] : memref<125x80xi32, #tpu.memory_space<vmem>> -> memref<1x80xi32, #tpu.memory_space<vmem>>
    %dma_wait3A_148 = tpu.memref_squeeze %dma_wait3A_147 : memref<1x80xi32, #tpu.memory_space<vmem>> -> memref<80xi32, #tpu.memory_space<vmem>>
    %dma_wait3A_149 = arith.constant 0 : i32
    %dma_wait3A_150 = arith.constant 0 : i32
    %dma_wait3A_151 = tpu.memref_slice %arg19[%dma_wait3A_149, %dma_wait3A_150] : memref<100x128xf32, #tpu.memory_space<vmem_shared>> -> memref<100x128xf32, #tpu.memory_space<vmem_shared>>
    tpu.wait_indirect_dma semaphore(%arg21 : memref<!tpu.dma_semaphore, #tpu.memory_space<semaphore_mem>>) src(%dma_wait3A_151 : memref<100x128xf32, #tpu.memory_space<vmem_shared>>) dst(%arg14 : memref<80x128xf32, #tpu.memory_space<vmem>>)
    %dma_wait3A_152 = arith.constant 124 : i32
    %dma_wait3A_153 = arith.constant 0 : i32
    %dma_wait3A_154 = tpu.memref_slice %arg11[%dma_wait3A_152, %dma_wait3A_153] : memref<125x80xi32, #tpu.memory_space<vmem>> -> memref<1x80xi32, #tpu.memory_space<vmem>>
    %dma_wait3A_155 = tpu.memref_squeeze %dma_wait3A_154 : memref<1x80xi32, #tpu.memory_space<vmem>> -> memref<80xi32, #tpu.memory_space<vmem>>
    %dma_wait3A_156 = arith.constant 0 : i32
    %dma_wait3A_157 = arith.constant 0 : i32
    %dma_wait3A_158 = tpu.memref_slice %arg20[%dma_wait3A_156, %dma_wait3A_157] : memref<100x128xf32, #tpu.memory_space<vmem_shared>> -> memref<100x128xf32, #tpu.memory_space<vmem_shared>>
    tpu.wait_indirect_dma semaphore(%arg21 : memref<!tpu.dma_semaphore, #tpu.memory_space<semaphore_mem>>) src(%dma_wait3A_158 : memref<100x128xf32, #tpu.memory_space<vmem_shared>>) dst(%arg16 : memref<80x128xf32, #tpu.memory_space<vmem>>)
    %add3A_159 = arith.constant 9840 : i32
    %add3A_160 = arith.addi %mul3A_2, %add3A_159 : i32
    %multiple_of3A_161 = tpu.assume_multiple %add3A_160, 16 : i32
    %dma_wait3A_162 = arith.constant 0 : i32
    %dma_wait3A_163 = tpu.memref_slice %arg8[%multiple_of3A_161, %dma_wait3A_162] : memref<320000x128xf32, #tpu.memory_space<hbm>> -> memref<80x128xf32, #tpu.memory_space<hbm>>
    %dma_wait3A_164 = arith.constant 0 : i32
    %dma_wait3A_165 = tpu.memref_slice %arg8[%multiple_of3A_161, %dma_wait3A_164] : memref<320000x128xf32, #tpu.memory_space<hbm>> -> memref<80x128xf32, #tpu.memory_space<hbm>>
    tpu.wait_dma2 semaphore(%arg24 : memref<!tpu.dma_semaphore, #tpu.memory_space<semaphore_mem>>) src(%arg13 : memref<80x128xf32, #tpu.memory_space<vmem>>) dst(%dma_wait3A_165 : memref<80x128xf32, #tpu.memory_space<hbm>>)
    %parallel_loop3A_166 = arith.constant 0 : i32
    %parallel_loop3A_167 = arith.constant 80 : i32
    %parallel_loop3A_168 = arith.constant 1 : i32
    scf.for %parallel_loop3A_183 = %parallel_loop3A_166 to %parallel_loop3A_167 step %parallel_loop3A_168  : i32 {
      %parallel_loop3A_184 = arith.index_cast %parallel_loop3A_183 : i32 to index
      %parallel_loop3A_185 = arith.constant 0 : index
      %parallel_loop3A_186 = tpu.vector_load %arg14[%parallel_loop3A_184, %parallel_loop3A_185] {strides = array<i32>} : memref<80x128xf32, #tpu.memory_space<vmem>>, vector<16xf32>,
      %parallel_loop3A_187 = arith.index_cast %parallel_loop3A_183 : i32 to index
      %parallel_loop3A_188 = arith.constant 0 : index
      %parallel_loop3A_189 = tpu.vector_load %arg16[%parallel_loop3A_187, %parallel_loop3A_188] {strides = array<i32>} : memref<80x128xf32, #tpu.memory_space<vmem>>, vector<16xf32>,
      %parallel_loop3A_190 = arith.addf %parallel_loop3A_186, %parallel_loop3A_189 : vector<16xf32>
      %parallel_loop3A_191 = arith.index_cast %parallel_loop3A_183 : i32 to index
      %parallel_loop3A_192 = arith.constant 0 : index
      %parallel_loop3A_193 = tpu.vector_load %arg12[%parallel_loop3A_191, %parallel_loop3A_192] {strides = array<i32>} : memref<80x128xf32, #tpu.memory_space<vmem>>, vector<16xf32>,
      tpu.vector_store %arg12[%parallel_loop3A_191, %parallel_loop3A_192], %parallel_loop3A_190 {add = true, strides = array<i32>} : memref<80x128xf32, #tpu.memory_space<vmem>>, vector<16xf32>,
      %parallel_loop3A_194 = arith.index_cast %parallel_loop3A_183 : i32 to index
      %parallel_loop3A_195 = arith.constant 16 : index
      %parallel_loop3A_196 = tpu.vector_load %arg14[%parallel_loop3A_194, %parallel_loop3A_195] {strides = array<i32>} : memref<80x128xf32, #tpu.memory_space<vmem>>, vector<16xf32>,
      %parallel_loop3A_197 = arith.index_cast %parallel_loop3A_183 : i32 to index
      %parallel_loop3A_198 = arith.constant 16 : index
      %parallel_loop3A_199 = tpu.vector_load %arg16[%parallel_loop3A_197, %parallel_loop3A_198] {strides = array<i32>} : memref<80x128xf32, #tpu.memory_space<vmem>>, vector<16xf32>,
      %parallel_loop3A_200 = arith.addf %parallel_loop3A_196, %parallel_loop3A_199 : vector<16xf32>
      %parallel_loop3A_201 = arith.index_cast %parallel_loop3A_183 : i32 to index
      %parallel_loop3A_202 = arith.constant 16 : index
      %parallel_loop3A_203 = tpu.vector_load %arg12[%parallel_loop3A_201, %parallel_loop3A_202] {strides = array<i32>} : memref<80x128xf32, #tpu.memory_space<vmem>>, vector<16xf32>,
      tpu.vector_store %arg12[%parallel_loop3A_201, %parallel_loop3A_202], %parallel_loop3A_200 {add = true, strides = array<i32>} : memref<80x128xf32, #tpu.memory_space<vmem>>, vector<16xf32>,
      %parallel_loop3A_204 = arith.index_cast %parallel_loop3A_183 : i32 to index
      %parallel_loop3A_205 = arith.constant 32 : index
      %parallel_loop3A_206 = tpu.vector_load %arg14[%parallel_loop3A_204, %parallel_loop3A_205] {strides = array<i32>} : memref<80x128xf32, #tpu.memory_space<vmem>>, vector<16xf32>,
      %parallel_loop3A_207 = arith.index_cast %parallel_loop3A_183 : i32 to index
      %parallel_loop3A_208 = arith.constant 32 : index
      %parallel_loop3A_209 = tpu.vector_load %arg16[%parallel_loop3A_207, %parallel_loop3A_208] {strides = array<i32>} : memref<80x128xf32, #tpu.memory_space<vmem>>, vector<16xf32>,
      %parallel_loop3A_210 = arith.addf %parallel_loop3A_206, %parallel_loop3A_209 : vector<16xf32>
      %parallel_loop3A_211 = arith.index_cast %parallel_loop3A_183 : i32 to index
      %parallel_loop3A_212 = arith.constant 32 : index
      %parallel_loop3A_213 = tpu.vector_load %arg12[%parallel_loop3A_211, %parallel_loop3A_212] {strides = array<i32>} : memref<80x128xf32, #tpu.memory_space<vmem>>, vector<16xf32>,
      tpu.vector_store %arg12[%parallel_loop3A_211, %parallel_loop3A_212], %parallel_loop3A_210 {add = true, strides = array<i32>} : memref<80x128xf32, #tpu.memory_space<vmem>>, vector<16xf32>,
      %parallel_loop3A_214 = arith.index_cast %parallel_loop3A_183 : i32 to index
      %parallel_loop3A_215 = arith.constant 48 : index
      %parallel_loop3A_216 = tpu.vector_load %arg14[%parallel_loop3A_214, %parallel_loop3A_215] {strides = array<i32>} : memref<80x128xf32, #tpu.memory_space<vmem>>, vector<16xf32>,
      %parallel_loop3A_217 = arith.index_cast %parallel_loop3A_183 : i32 to index
      %parallel_loop3A_218 = arith.constant 48 : index
      %parallel_loop3A_219 = tpu.vector_load %arg16[%parallel_loop3A_217, %parallel_loop3A_218] {strides = array<i32>} : memref<80x128xf32, #tpu.memory_space<vmem>>, vector<16xf32>,
      %parallel_loop3A_220 = arith.addf %parallel_loop3A_216, %parallel_loop3A_219 : vector<16xf32>
      %parallel_loop3A_221 = arith.index_cast %parallel_loop3A_183 : i32 to index
      %parallel_loop3A_222 = arith.constant 48 : index
      %parallel_loop3A_223 = tpu.vector_load %arg12[%parallel_loop3A_221, %parallel_loop3A_222] {strides = array<i32>} : memref<80x128xf32, #tpu.memory_space<vmem>>, vector<16xf32>,
      tpu.vector_store %arg12[%parallel_loop3A_221, %parallel_loop3A_222], %parallel_loop3A_220 {add = true, strides = array<i32>} : memref<80x128xf32, #tpu.memory_space<vmem>>, vector<16xf32>,
      %parallel_loop3A_224 = arith.index_cast %parallel_loop3A_183 : i32 to index
      %parallel_loop3A_225 = arith.constant 64 : index
      %parallel_loop3A_226 = tpu.vector_load %arg14[%parallel_loop3A_224, %parallel_loop3A_225] {strides = array<i32>} : memref<80x128xf32, #tpu.memory_space<vmem>>, vector<16xf32>,
      %parallel_loop3A_227 = arith.index_cast %parallel_loop3A_183 : i32 to index
      %parallel_loop3A_228 = arith.constant 64 : index
      %parallel_loop3A_229 = tpu.vector_load %arg16[%parallel_loop3A_227, %parallel_loop3A_228] {strides = array<i32>} : memref<80x128xf32, #tpu.memory_space<vmem>>, vector<16xf32>,
      %parallel_loop3A_230 = arith.addf %parallel_loop3A_226, %parallel_loop3A_229 : vector<16xf32>
      %parallel_loop3A_231 = arith.index_cast %parallel_loop3A_183 : i32 to index
      %parallel_loop3A_232 = arith.constant 64 : index
      %parallel_loop3A_233 = tpu.vector_load %arg12[%parallel_loop3A_231, %parallel_loop3A_232] {strides = array<i32>} : memref<80x128xf32, #tpu.memory_space<vmem>>, vector<16xf32>,
      tpu.vector_store %arg12[%parallel_loop3A_231, %parallel_loop3A_232], %parallel_loop3A_230 {add = true, strides = array<i32>} : memref<80x128xf32, #tpu.memory_space<vmem>>, vector<16xf32>,
      %parallel_loop3A_234 = arith.index_cast %parallel_loop3A_183 : i32 to index
      %parallel_loop3A_235 = arith.constant 80 : index
      %parallel_loop3A_236 = tpu.vector_load %arg14[%parallel_loop3A_234, %parallel_loop3A_235] {strides = array<i32>} : memref<80x128xf32, #tpu.memory_space<vmem>>, vector<16xf32>,
      %parallel_loop3A_237 = arith.index_cast %parallel_loop3A_183 : i32 to index
      %parallel_loop3A_238 = arith.constant 80 : index
      %parallel_loop3A_239 = tpu.vector_load %arg16[%parallel_loop3A_237, %parallel_loop3A_238] {strides = array<i32>} : memref<80x128xf32, #tpu.memory_space<vmem>>, vector<16xf32>,
      %parallel_loop3A_240 = arith.addf %parallel_loop3A_236, %parallel_loop3A_239 : vector<16xf32>
      %parallel_loop3A_241 = arith.index_cast %parallel_loop3A_183 : i32 to index
      %parallel_loop3A_242 = arith.constant 80 : index
      %parallel_loop3A_243 = tpu.vector_load %arg12[%parallel_loop3A_241, %parallel_loop3A_242] {strides = array<i32>} : memref<80x128xf32, #tpu.memory_space<vmem>>, vector<16xf32>,
      tpu.vector_store %arg12[%parallel_loop3A_241, %parallel_loop3A_242], %parallel_loop3A_240 {add = true, strides = array<i32>} : memref<80x128xf32, #tpu.memory_space<vmem>>, vector<16xf32>,
      %parallel_loop3A_244 = arith.index_cast %parallel_loop3A_183 : i32 to index
      %parallel_loop3A_245 = arith.constant 96 : index
      %parallel_loop3A_246 = tpu.vector_load %arg14[%parallel_loop3A_244, %parallel_loop3A_245] {strides = array<i32>} : memref<80x128xf32, #tpu.memory_space<vmem>>, vector<16xf32>,
      %parallel_loop3A_247 = arith.index_cast %parallel_loop3A_183 : i32 to index
      %parallel_loop3A_248 = arith.constant 96 : index
      %parallel_loop3A_249 = tpu.vector_load %arg16[%parallel_loop3A_247, %parallel_loop3A_248] {strides = array<i32>} : memref<80x128xf32, #tpu.memory_space<vmem>>, vector<16xf32>,
      %parallel_loop3A_250 = arith.addf %parallel_loop3A_246, %parallel_loop3A_249 : vector<16xf32>
      %parallel_loop3A_251 = arith.index_cast %parallel_loop3A_183 : i32 to index
      %parallel_loop3A_252 = arith.constant 96 : index
      %parallel_loop3A_253 = tpu.vector_load %arg12[%parallel_loop3A_251, %parallel_loop3A_252] {strides = array<i32>} : memref<80x128xf32, #tpu.memory_space<vmem>>, vector<16xf32>,
      tpu.vector_store %arg12[%parallel_loop3A_251, %parallel_loop3A_252], %parallel_loop3A_250 {add = true, strides = array<i32>} : memref<80x128xf32, #tpu.memory_space<vmem>>, vector<16xf32>,
      %parallel_loop3A_254 = arith.index_cast %parallel_loop3A_183 : i32 to index
      %parallel_loop3A_255 = arith.constant 112 : index
      %parallel_loop3A_256 = tpu.vector_load %arg14[%parallel_loop3A_254, %parallel_loop3A_255] {strides = array<i32>} : memref<80x128xf32, #tpu.memory_space<vmem>>, vector<16xf32>,
      %parallel_loop3A_257 = arith.index_cast %parallel_loop3A_183 : i32 to index
      %parallel_loop3A_258 = arith.constant 112 : index
      %parallel_loop3A_259 = tpu.vector_load %arg16[%parallel_loop3A_257, %parallel_loop3A_258] {strides = array<i32>} : memref<80x128xf32, #tpu.memory_space<vmem>>, vector<16xf32>,
      %parallel_loop3A_260 = arith.addf %parallel_loop3A_256, %parallel_loop3A_259 : vector<16xf32>
      %parallel_loop3A_261 = arith.index_cast %parallel_loop3A_183 : i32 to index
      %parallel_loop3A_262 = arith.constant 112 : index
      %parallel_loop3A_263 = tpu.vector_load %arg12[%parallel_loop3A_261, %parallel_loop3A_262] {strides = array<i32>} : memref<80x128xf32, #tpu.memory_space<vmem>>, vector<16xf32>,
      tpu.vector_store %arg12[%parallel_loop3A_261, %parallel_loop3A_262], %parallel_loop3A_260 {add = true, strides = array<i32>} : memref<80x128xf32, #tpu.memory_space<vmem>>, vector<16xf32>,
    } {sc.loop_unroll_factor = 2 : i64, sc.parallel_access}
    %add3A_169 = arith.constant 9920 : i32
    %add3A_170 = arith.addi %mul3A_2, %add3A_169 : i32
    %multiple_of3A_171 = tpu.assume_multiple %add3A_170, 16 : i32
    %dma_start3A_172 = arith.constant 0 : i32
    %dma_start3A_173 = tpu.memref_slice %arg8[%multiple_of3A_171, %dma_start3A_172] : memref<320000x128xf32, #tpu.memory_space<hbm>> -> memref<80x128xf32, #tpu.memory_space<hbm>>
    %dma_start3A_174 = arith.constant 0 : i32
    %dma_start3A_175 = tpu.memref_slice %arg8[%multiple_of3A_171, %dma_start3A_174] : memref<320000x128xf32, #tpu.memory_space<hbm>> -> memref<80x128xf32, #tpu.memory_space<hbm>>
    tpu.enqueue_dma source(%arg12 : memref<80x128xf32, #tpu.memory_space<vmem>>) target(%dma_start3A_175 : memref<80x128xf32, #tpu.memory_space<hbm>>) target_semaphore(%arg23 : memref<!tpu.dma_semaphore, #tpu.memory_space<semaphore_mem>>)
    %add3A_176 = arith.constant 9920 : i32
    %add3A_177 = arith.addi %mul3A_2, %add3A_176 : i32
    %multiple_of3A_178 = tpu.assume_multiple %add3A_177, 16 : i32
    %dma_wait3A_179 = arith.constant 0 : i32
    %dma_wait3A_180 = tpu.memref_slice %arg8[%multiple_of3A_178, %dma_wait3A_179] : memref<320000x128xf32, #tpu.memory_space<hbm>> -> memref<80x128xf32, #tpu.memory_space<hbm>>
    %dma_wait3A_181 = arith.constant 0 : i32
    %dma_wait3A_182 = tpu.memref_slice %arg8[%multiple_of3A_178, %dma_wait3A_181] : memref<320000x128xf32, #tpu.memory_space<hbm>> -> memref<80x128xf32, #tpu.memory_space<hbm>>
    tpu.wait_dma2 semaphore(%arg23 : memref<!tpu.dma_semaphore, #tpu.memory_space<semaphore_mem>>) src(%arg12 : memref<80x128xf32, #tpu.memory_space<vmem>>) dst(%dma_wait3A_182 : memref<80x128xf32, #tpu.memory_space<hbm>>)
    return
  }
}

</mosaic_0001>

<sc_bundles>
// kernel: kernel.3.cloned.1.call-start
scs
__scs_entry_jumppad:
0x0: {  	(pc) =	sbr.rel $0x88, $3  }
0x1: {  	(tag) =	ssettag $0x0;
	lr =	simm.s32 $0x1  }
0x2: {  	[smem:$0x3F9D] =	sst lr;
	_ =	strace $0xD0000000  }
0x3: {  	_ = 	snop  }
0x4: {  	_ = 	snop  }
0x5: {  	_ = 	snop  }
0x6: {  	_ = 	snop  }
0x7: {  	_ = 	snop  }
__scs_overlays_trampoline_lowered:
0x8: {  	[smem:$0x3FAC] =	sst s0  }
0x9: {  	[smem:$0x3FAD] =	sst s1  }
0xa: {  	[smem:$0x3FAE] =	sst s2  }
0xb: {  	[smem:$0x3FAF] =	sst s3  }
0xc: {  	[smem:$0x3FB0] =	sst s4  }
0xd: {  	[smem:$0x3FB1] =	sst s5  }
0xe: {  	[smem:$0x3FB2] =	sst s6  }
0xf: {  	[smem:$0x3FB3] =	sst s7  }
0x10: {  	[smem:$0x3FB4] =	sst s8  }
0x11: {  	[smem:$0x3FB5] =	sst s9;
	s0 =	simm.s32 @!p0 $0x0  }
0x12: {  	s1 =	sld [smem:$0x3F9B];
	s0 =	simm.s32 @p0 $0x1  }
0x13: {  	[smem:$0x3FB6] =	sst s0;
	s0 =	simm.s32 @!p1 $0x0  }
0x14: {  	s2 =	sld [smem:$0x3F9A];
	s0 =	simm.s32 @p1 $0x1  }
0x15: {  	[smem:$0x3FB7] =	sst s0;
	s0 =	simm.s32 @!p2 $0x0  }
0x16: {  	s3 =	sld [smem:$0x3FDB];
	s0 =	simm.s32 @p2 $0x1  }
0x17: {  	s4 =	simm.s32 $0x1BF5;
	[smem:$0x3FB9] =	sst s0  }
0x18: {  	s0 =	sld [smem:$0x3F9C];
	_ =	swait.ge [sflag:s4], $0x0  }
0x19: {  	s7 =	sld [smem:$0x3F9D]  }
0x1a: {  	s8 =	sadd.s32 $0xFFFFE003, lr  }
0x1b: {  	s9 =	sadd.s32 $0xFFFFFEF7, lr;
	s5 =	simm.s32 $0xFFFFFFFF;
	p2 =	slt.u32 s8, $0xFFFFF086  }
0x1c: {  	p1 =	slt.u32 s9, $0xF7A;
	s5 =	simm.s32 @!p2 $0x0  }
0x1d: {  	s5 =	simm.s32 @p1 $0x1;
	p0 =	seq.s32 s7, s2  }
0x1e: {  	s7 =	smul.u32 @!p0 $0xF7A, s2;
	p2 =	seq.s32 @!p0 s5, $0x0  }
0x1f: {  	s9 =	smul.u32 $0xF7A, s1;
	s8 =	simm.s32 @!p0 $0x1BF5;
	p2 =	por !p2, p0  }
0x20: {  	[sflag:s8] =	ssyncset.s32 @!p0 $0xFFFFF086;
	s6 =	sadd.s32 @!p0 s3, s7;
	s7 =	simm.s32 @!p0 $0x108  }
0x21: {  	s3 =	sadd.s32 s3, s9;
	s6 =	sadd.s32 @!p0 $0x88, s6;
	s7 =	simm.s32 @p2 $0x1082  }
0x22: {  	[simem:s7], [sflag:s8] =	dma.local @!p0 [hbm:s6], $0xF7A  }
0x23: {  	s9 =	sor.u32 $0xD0000000, s2;
	s6 =	simm.s32 $0x108;
	_ =	swait.ge @!p0 [sflag:s8], $0x0  }
0x24: {  	s3 =	sadd.s32 $0x88, s3;
	s6 =	simm.s32 @!p1 $0x1082;
	[sflag:s4] =	ssyncset.s32 $0xFFFFF086  }
0x25: {  	[simem:s6], [sflag:s4] =	dma.local [hbm:s3], $0xF7A  }
0x26: {  	[smem:$0x3F9D] =	sst s1;
	(tag) =	ssettag s2;
	_ =	strace s9  }
0x27: {  	s1 =	sld [smem:$0x3FAD]  }
0x28: {  	s2 =	sld [smem:$0x3FAE]  }
0x29: {  	s4 =	sld [smem:$0x3FB0]  }
0x2a: {  	p0 =	seq.s32 s5, $0x0;
	s5 =	sld [smem:$0x3FB1]  }
0x2b: {  	s6 =	sld [smem:$0x3FB2]  }
0x2c: {  	s7 =	sld [smem:$0x3FB3]  }
0x2d: {  	s3 =	simm.s32 $0x108;
	s8 =	sld [smem:$0x3FB4]  }
0x2e: {  	s3 =	simm.s32 @!p0 $0x1082;
	s9 =	sld [smem:$0x3FB5]  }
0x2f: {  	lr =	sadd.s32 s0, s3;
	s0 =	sld [smem:$0x3FAC]  }
0x30: {  	s3 =	sld [smem:$0x3FAF]  }
0x31: {  	[smem:$0x3FB8] =	sst s10  }
0x32: {  	s10 =	sld [smem:$0x3FB6];
	_ =	sdelay $0x3  }
0x33: {  	p0 =	seq.s32 s10, $0x1;
	s10 =	sld [smem:$0x3FB8];
	_ =	sdelay $0x3  }
0x34: {  	[smem:$0x3FB8] =	sst s10  }
0x35: {  	s10 =	sld [smem:$0x3FB7];
	_ =	sdelay $0x3  }
0x36: {  	p1 =	seq.s32 s10, $0x1;
	s10 =	sld [smem:$0x3FB8];
	_ =	sdelay $0x3  }
0x37: {  	[smem:$0x3FB8] =	sst s10  }
0x38: {  	s10 =	sld [smem:$0x3FB9]  }
0x39: {  	_ = 	snop;
	(pc) =	sbr.ind lr, $3  }
0x3a: {  	_ = 	snop  }
0x3b: {  	_ = 	snop  }
0x3c: {  	p2 =	seq.s32 s10, $0x1;
	s10 =	sld [smem:$0x3FB8]  }
0x3d: {  	_ =	shalt  }
0x3e: {  	_ =	shalt  }
0x3f: {  	_ =	shalt  }
0x40: {  	_ =	shalt  }
0x41: {  	_ =	shalt  }
0x42: {  	_ =	shalt  }
0x43: {  	_ =	shalt  }
0x44: {  	_ =	shalt  }
0x45: {  	_ =	shalt  }
0x46: {  	_ =	shalt  }
0x47: {  	_ =	shalt  }
0x48: {  	_ =	shalt  }
0x49: {  	_ =	shalt  }
0x4a: {  	_ =	shalt  }
0x4b: {  	_ =	shalt  }
0x4c: {  	_ =	shalt  }
0x4d: {  	_ =	shalt  }
0x4e: {  	_ =	shalt  }
0x4f: {  	_ =	shalt  }
0x50: {  	_ =	shalt  }
0x51: {  	_ =	shalt  }
0x52: {  	_ =	shalt  }
0x53: {  	_ =	shalt  }
0x54: {  	_ =	shalt  }
0x55: {  	_ =	shalt  }
0x56: {  	_ =	shalt  }
0x57: {  	_ =	shalt  }
0x58: {  	_ =	shalt  }
0x59: {  	_ =	shalt  }
0x5a: {  	_ =	shalt  }
0x5b: {  	_ =	shalt  }
0x5c: {  	_ =	shalt  }
0x5d: {  	_ =	shalt  }
0x5e: {  	_ =	shalt  }
0x5f: {  	_ =	shalt  }
0x60: {  	_ =	shalt  }
0x61: {  	_ =	shalt  }
0x62: {  	_ =	shalt  }
0x63: {  	_ =	shalt  }
0x64: {  	_ =	shalt  }
0x65: {  	_ =	shalt  }
0x66: {  	_ =	shalt  }
0x67: {  	_ =	shalt  }
0x68: {  	_ =	shalt  }
0x69: {  	_ =	shalt  }
0x6a: {  	_ =	shalt  }
0x6b: {  	_ =	shalt  }
0x6c: {  	_ =	shalt  }
0x6d: {  	_ =	shalt  }
0x6e: {  	_ =	shalt  }
0x6f: {  	_ =	shalt  }
0x70: {  	_ =	shalt  }
0x71: {  	_ =	shalt  }
0x72: {  	_ =	shalt  }
0x73: {  	_ =	shalt  }
0x74: {  	_ =	shalt  }
0x75: {  	_ =	shalt  }
0x76: {  	_ =	shalt  }
0x77: {  	_ =	shalt  }
0x78: {  	_ =	shalt  }
0x79: {  	_ =	shalt  }
0x7a: {  	_ =	shalt  }
0x7b: {  	_ =	shalt  }
0x7c: {  	_ =	shalt  }
0x7d: {  	_ =	shalt  }
0x7e: {  	_ =	shalt  }
0x7f: {  	_ =	shalt  }
0x80: {  	_ =	shalt  }
0x81: {  	_ =	shalt  }
0x82: {  	_ =	shalt  }
0x83: {  	_ =	shalt  }
0x84: {  	_ =	shalt  }
0x85: {  	_ =	shalt  }
0x86: {  	_ =	shalt  }
0x87: {  	_ =	shalt  }
.Lfunc_end0:
.L_simem_size_0:
called_computation_lowered:
.L_overlay_start_0:
0x88: {  	s2 =	sld [smem:$0x3FD9]  }
0x89: {  	s3 =	sld [smem:$0x3FFE];
	_ =	sdelay $0x1  }
0x8a: {  	s1 =	srdreg.scid  }
0x8b: {  	s0 =	sand.u32 $0x1, s1  }
0x8c: {  	s17 =	sshll.u32 s0, $0xA;
	s2 =	sadd.s32 s3, s2  }
0x8d: {  	s2 =	sadd.s32 s2, s17  }
0x8e: {  	[smem:$0x3FC4] =	sst s2  }
0x8f: {  	_ = 	snop  }
0x90: {  	s2 =	sld [smem:$0x3FC8]  }
0x91: {  	s18 =	sld [smem:$0x3FC7]  }
0x92: {  	s4 =	sld [smem:$0x3FC6]  }
0x93: {  	s5 =	sld [smem:$0x3FD0];
	(tm) =	ssettm $0x1  }
0x94: {  	s6 =	sld [smem:$0x3FFB];
	_ =	sdelay $0x3  }
0x95: {  	_ =	strace s6  }
0x96: {  	s6 =	sld [smem:$0x3FFC];
	_ =	sdelay $0x3  }
0x97: {  	_ =	strace s6  }
0x98: {  	s6 =	sld [smem:$0x3FFD];
	_ =	sdelay $0x3  }
0x99: {  	_ =	strace s6  }
0x9a: {  	_ =	strace $0x8FFFFFFF  }
0x9b: {  	s19 =	sld [smem:$0x3FDB];
	_ =	sdelay $0x1  }
0x9c: {  	s7 =	simm.s32 $_scs_section_size  }
0x9d: {  	s8 =	simm.s32 $_size__tile_overlayer_lowered;
	s9 =	simm.s32 $_tile_overlayer_lowered  }
0x9e: {  	s22 =	simm.s32 $0x1BFF;
	s21 =	sshll.u32 s9, $0x1;
	s6 =	sadd.s32 s7, s19  }
0x9f: {  	s10 =	simm.s32 $0x0;
	s20 =	sshll.u32 s8, $0x1;
	s8 =	sadd.s32 s21, s6  }
0xa0: {  	[timem:s10], [sflag:s22] =	dma.local [hbm:s8], s20  }
0xa1: {  	_ =	swait.ge [sflag:s22], s20  }
0xa2: {  	s7 =	ssub.s32 $0x0, s20;
	[sflag:s22] =	ssyncset.done $0x0  }
0xa3: {  	[sflag:s22] =	ssyncadd.s32 s7;
	_ =	sdelay $0x1  }
0xa4: {  	s23 =	simm.s32 $0x1B8B  }
0xa5: {  	_ =	swait.ge [sflag:s23], $0x1  }
0xa6: {  	[sflag:s23] =	ssyncset.done $0x0  }
0xa7: {  	s25 =	simm.s32 $0x1B8E;
	s24 =	sld [smem:$0x3FFE];
	[sflag:s23] =	ssyncadd.s32 $0xFFFFFFFF  }
0xa8: {  	s26 =	simm.s32 $execute0_lowered;
	[smem:$0x3FD2] =	sst s25  }
0xa9: {  	s8 =	sshll.u32 s26, $0x1;
	_ =	strace $0x80000046;
	[dreg:$0x1] =	wrdreg $0xFFFFFFFF  }
0xaa: {  	s28 =	simm.s32 $_size_execute0_lowered;
	s6 =	sadd.s32 s6, s8;
	[dreg:$0x0] =	wrdreg $0x0  }
0xab: {  	s8 =	sshll.u32 s28, $0x1;
	[dreg:$0x2] =	wrdreg s6  }
0xac: {  	[dreg:$0x3] =	wrdreg s8  }
0xad: {  	[dreg:$0x4] =	wrdreg $0xC0  }
0xae: {  	_ =	task [dreg:s10], $0x5FFFF  }
0xaf: {  	[dreg:$0x1] =	wrdreg $0xFFFFFFFF  }
0xb0: {  	[dreg:$0x0] =	wrdreg $0x60  }
0xb1: {  	[dreg:$0x2] =	wrdreg s24  }
0xb2: {  	[dreg:$0x3] =	wrdreg s2  }
0xb3: {  	[dreg:$0x4] =	wrdreg s18  }
0xb4: {  	[dreg:$0x5] =	wrdreg s4  }
0xb5: {  	[dreg:$0x6] =	wrdreg s5  }
0xb6: {  	[dreg:$0x7] =	wrdreg $0x1B0000  }
0xb7: {  	[dreg:$0x8] =	wrdreg $0x1B3200  }
0xb8: {  	[dreg:$0x9] =	wrdreg $0x1B6400  }
0xb9: {  	[dreg:$0xa] =	wrdreg $0x9  }
0xba: {  	_ =	task.clear_ibuf [dreg:s10], $0xBFFFF;
	_ =	strace $0x90000046  }
0xbb: {  	s29 =	simm.s32 $0x9;
	_ =	strace $0x80000048  }
0xbc: {  	_ =	swait.ge [sflag:s29], $0x1  }
0xbd: {  	[sflag:s29] =	ssyncadd.s32 $0xFFFFFFFF  }
0xbe: {  	_ =	strace $0x90000048  }
0xbf: {  	_ =	sfence  }
0xc0: {  	s30 =	sld [smem:$0x0];
	_ =	sdelay $0x2  }
0xc1: {  	s31 =	sshll.u32 s1, $0xD;
	s1 =	sshrl.u32 s1, $0x2  }
0xc2: {  	s3 =	sand.u32 $0x4000, s31;
	s1 =	sadd.s32 s1, s30  }
0xc3: {  	s0 =	sor.u32 s3, s0;
	s1 =	sshll.u32 s1, $0x11  }
0xc4: {  	s0 =	sor.u32 s1, s0  }
0xc5: {  	s0 =	sadd.s32 $0x8F2B, s0  }
0xc6: {  	[sflag:s0] =	ssyncadd.remote.s32 $0x1  }
0xc7: {  	_ =	sfence.sel $0xFFFF  }
0xc8: {  	[dreg:$0x0] =	wrdreg $0xFFFFFFFF;
	(pc) =	sbr.abs _section_cstart, $3  }
0xc9: {  	[dreg:$0x1] =	wrdreg $0xFFFFFFFF  }
0xca: {  	_ =	task.clear_ibuf [dreg:s10], $0x2FFFF;
	_ =	strace $0x9FFFFFFF  }
0xcb: {  	(tm) =	ssettm $0x7FFFFFFF  }
tec
execute0_lowered:
.L_overlay_start_1:
0x0: {  	(tag) =	ssettag $0x1  }
0x1: {  	s0 =	rddreg [dreg:$0x0]  }
0x2: {  	s4 =	rddreg [dreg:$0x4]  }
0x3: {  	s5 =	rddreg [dreg:$0x5]  }
0x4: {  	s6 =	rddreg [dreg:$0x6]  }
0x5: {  	s7 =	rddreg [dreg:$0x7];
	s1 =	srdreg.scid  }
0x6: {  	s2 =	stileid.u32;
	s8 =	simm.s32 $0x0;
	s28 =	simm.s32 $0x16000  }
0x7: {  	s29 =	simm.s32 $0x1;
	s31 =	simm.s32 $0xE800;
	s30 =	simm.s32 $0x2  }
0x8: {  	s1 =	sand.u32 $0x1, s1;
	s3 =	sshll.u32 s2, $0x1;
	[smem:$0x7FF] =	sst s8  }
0x9: {  	p0 =	sne.s32 s2, $0x0;
	s2 =	simm.s32 $0x3;
	s9 =	ssub.s32 $0x2, s1  }
0xa: {  	s1 =	sor.u32 s1, s3;
	_ =	strace $0x80000047;
	s18 =	sshrl.u32 @!p0 s5, $0x3  }
0xb: {  	s19 =	sshrl.u32 @!p0 s6, $0x3;
	s20 =	sshrl.u32 @!p0 s7, $0x3;
	s11 =	smul.u32 $0x138800, s1  }
0xc: {  	s21 =	sshrl.u32 s9, $0x1;
	s10 =	sshll.u32 s1, $0xB;
	s22 =	smul.u32 $0x27100, s1  }
0xd: {  	s3 =	ssub.s32 s9, s21;
	s9 =	smul.u32 $0x2710, s1;
	s10 =	sadd.s32 s0, s10  }
0xe: {  	s21 =	simm.s32 $0x5;
	s23 =	sshrl.u32 s11, $0x3;
	s24 =	sadd.s32 $0x20000, s10  }
0xf: {  	s25 =	sadd.s32 $0x10000, s10;
	s0 =	sadd.s32 s4, s22;
	[dreg:$0x9] =	wrdreg s24  }
0x10: {  	s17 =	smax.u32 s3, $0x1;
	s3 =	simm.s32 $0x18800;
	[dreg:$0xa] =	wrdreg s25  }
0x11: {  	s22 =	simm.s32 $0x0;
	s1 =	sadd.s32 s4, s23;
	[dreg:$0xb] =	wrdreg s0  }
0x12: {  	s14 =	sadd.s32 $0x50, s9;
	s24 =	simm.s32 $0x50;
	s25 =	simm.s32 $0xC000  }
0x13: {  	s0 =	simm.s32 $0x13800;
	s26 =	sadd.s32 $0x26700, s1;
	s16 =	sadd.s32 $0x26C00, s1  }
0x14: {  	s1 =	simm.s32 $0x4;
	[dreg:$0xc] =	wrdreg s26;
	s26 =	simm.s32 $0x11000  }
.LBB2_1:
0x15: {  	s11 =	simm.s32 @!p0 $0x1C05;
	s12 =	rddreg [dreg:$0x1]  }
0x16: {  	[spmem:s18], [sflag:s11] =	dma.local @!p0 [hbm:s12], $0x640  }
0x17: {  	s12 =	simm.s32 @!p0 $0x5  }
0x18: {  	_ =	swait.ge @!p0 [sflag:s12], $0x640  }
0x19: {  	[sflag:s12] =	ssyncset.done @!p0 $0x0  }
0x1a: {  	[sflag:s12] =	ssyncadd.s32 @!p0 $0xFFFFF9C0  }
0x1b: {  	s13 =	rddreg [dreg:$0x2]  }
0x1c: {  	[spmem:s19], [sflag:s11] =	dma.local @!p0 [hbm:s13], $0x640  }
0x1d: {  	_ =	swait.ge @!p0 [sflag:s12], $0x640  }
0x1e: {  	[sflag:s12] =	ssyncset.done @!p0 $0x0  }
0x1f: {  	[sflag:s12] =	ssyncadd.s32 @!p0 $0xFFFFF9C0  }
0x20: {  	s13 =	rddreg [dreg:$0x3]  }
0x21: {  	[spmem:s20], [sflag:s11] =	dma.local @!p0 [hbm:s13], $0x640  }
0x22: {  	_ =	swait.ge @!p0 [sflag:s12], $0x640  }
0x23: {  	[sflag:s12] =	ssyncset.done @!p0 $0x0  }
0x24: {  	[sflag:s12] =	ssyncadd.s32 @!p0 $0xFFFFF9C0;
	s12 =	rddreg [dreg:$0x9]  }
0x25: {  	[tilespmem:s8], [sflag:$0x5] =	stream.linear.gather [hbm4b:s12+s8], $0x3E80, $0x38;
	[tilespmem:$0x1B960] =	vst v63  }
0x26: {  	_ =	swait.ge [sflag:s21], $0x3E80  }
0x27: {  	[sflag:s21] =	ssyncset.done $0x0  }
0x28: {  	s15 =	simm.s32 $0x4000;
	s13 =	rddreg [dreg:$0xa];
	[sflag:s21] =	ssyncadd.s32 $0xFFFFC180  }
0x29: {  	[tilespmem:s15], [sflag:$0x5] =	stream.linear.gather [hbm4b:s13+s8], $0x3E80, $0x38;
	[tilespmem:$0x1B960] =	vst v63  }
0x2a: {  	_ =	swait.ge [sflag:s21], $0x3E80  }
0x2b: {  	[sflag:s21] =	ssyncset.done $0x0  }
0x2c: {  	s23 =	simm.s32 $0x8000;
	[sflag:s21] =	ssyncadd.s32 $0xFFFFC180  }
0x2d: {  	[tilespmem:s23], [sflag:$0x5] =	stream.linear.gather [hbm4b:s10+s8], $0x3E80, $0x38;
	[tilespmem:$0x1B960] =	vst v63  }
0x2e: {  	_ =	swait.ge [sflag:s21], $0x3E80  }
0x2f: {  	[sflag:s21] =	ssyncset.done $0x0  }
0x30: {  	[sflag:s21] =	ssyncadd.s32 $0xFFFFC180  }
0x31: {  	[bflag:$0x0] =	sbarrier.arrive $0xFFFF  }
0x32: {  	[tilespmem:s25], [sflag:$0x1] =	stream.indirect.gather [spmem:s5], $0x80, s8, s24, $0xb8;
	[tilespmem:$0x1B960] =	vst v63  }
0x33: {  	_ = 	snop  }
0x34: {  	[tilespmem:s26], [sflag:$0x1] =	stream.indirect.gather [spmem:s6], $0x80, s15, s24, $0xb8;
	[tilespmem:$0x1B960] =	vst v63  }
0x35: {  	_ = 	snop  }
0x36: {  	[tilespmem:s28], [sflag:$0x1] =	stream.indirect.gather [spmem:s7], $0x80, s23, s24, $0xb8;
	[tilespmem:$0x1B960] =	vst v63  }
0x37: {  	_ =	swait.ge [sflag:s29], $0x2800  }
0x38: {  	[sflag:s29] =	ssyncset.done $0x0  }
0x39: {  	[sflag:s29] =	ssyncadd.s32 $0xFFFFD800  }
0x3a: {  	_ =	swait.ge [sflag:s29], $0x2800  }
0x3b: {  	[sflag:s29] =	ssyncset.done $0x0  }
0x3c: {  	[sflag:s29] =	ssyncadd.s32 $0xFFFFD800  }
0x3d: {  	_ =	swait.ge [sflag:s29], $0x2800  }
0x3e: {  	[sflag:s29] =	ssyncset.done $0x0  }
0x3f: {  	s13 =	simm.s32 $0x80;
	[sflag:s29] =	ssyncadd.s32 $0xFFFFD800  }
0x40: {  	[tilespmem:s31], [sflag:$0x2] =	stream.indirect.gather [spmem:s5], $0x80, s13, s24, $0xb8;
	[tilespmem:$0x1B960] =	vst v63  }
0x41: {  	s15 =	simm.s32 $0x4080  }
0x42: {  	[tilespmem:s0], [sflag:$0x2] =	stream.indirect.gather [spmem:s6], $0x80, s15, s24, $0xb8;
	[tilespmem:$0x1B960] =	vst v63  }
0x43: {  	s11 =	simm.s32 $0x0;
	s23 =	simm.s32 $0x8080  }
0x44: {  	[tilespmem:s3], [sflag:$0x2] =	stream.indirect.gather [spmem:s7], $0x80, s23, s24, $0xb8;
	[tilespmem:$0x1B960] =	vst v63  }
0x45: {  	v0 =	vld [tilespmem:s11+$0x110F0]  }
0x46: {  	v1 =	vld [tilespmem:s11+$0x160F0]  }
0x47: {  	v2 =	vld [tilespmem:s11+$0x11000]  }
0x48: {  	v3 =	vld [tilespmem:s11+$0x16000]  }
0x49: {  	v4 =	vld [tilespmem:s11+$0x11010]  }
0x4a: {  	v5 =	vld [tilespmem:s11+$0x16010]  }
0x4b: {  	v6 =	vld [tilespmem:s11+$0x11020]  }
0x4c: {  	v7 =	vld [tilespmem:s11+$0x16030]  }
0x4d: {  	v8 =	vld [tilespmem:s11+$0x11040]  }
0x4e: {  	v9 =	vld [tilespmem:s11+$0x16040]  }
0x4f: {  	v10 =	vld [tilespmem:s11+$0x11050]  }
0x50: {  	v11 =	vld [tilespmem:s11+$0x16050]  }
0x51: {  	v12 =	vld [tilespmem:s11+$0x11060]  }
0x52: {  	v13 =	vld [tilespmem:s11+$0x16060]  }
0x53: {  	v14 =	vld [tilespmem:s11+$0x11070]  }
0x54: {  	v15 =	vld [tilespmem:s11+$0x16070]  }
0x55: {  	v16 =	vld [tilespmem:s11+$0x11080]  }
0x56: {  	v17 =	vld [tilespmem:s11+$0x16080]  }
0x57: {  	v18 =	vld [tilespmem:s11+$0x11090]  }
0x58: {  	v19 =	vld [tilespmem:s11+$0x16090]  }
0x59: {  	v20 =	vld [tilespmem:s11+$0x110A0]  }
0x5a: {  	v21 =	vld [tilespmem:s11+$0x110B0]  }
0x5b: {  	v54 =	vld [tilespmem:s11+$0x110C0]  }
0x5c: {  	v56 =	vld [tilespmem:s11+$0x160D0]  }
0x5d: {  	v58 =	vld [tilespmem:s11+$0x110E0]  }
0x5e: {  	v60 =	vld [tilespmem:s11+$0x160E0]  }
0x5f: {  	v0 =	vadd.f32 v1, v0;
	v1 =	vld [tilespmem:s11+$0x16020]  }
0x60: {  	v2 =	vadd.f32 v3, v2;
	v3 =	vld [tilespmem:s11+$0x160A0]  }
0x61: {  	[tilespmem:s11+$0xC0F0] =	vst.add.f32.msk $0xffff, v0  }
0x62: {  	v0 =	vld [tilespmem:s11+$0x11030]  }
0x63: {  	v4 =	vadd.f32 v5, v4;
	[tilespmem:s11+$0xC000] =	vst.add.f32.msk $0xffff, v2  }
0x64: {  	v55 =	vadd.f32 v9, v8;
	v2 =	vld [tilespmem:s11+$0x160B0]  }
0x65: {  	v57 =	vadd.f32 v11, v10;
	[tilespmem:s11+$0xC010] =	vst.add.f32.msk $0xffff, v4  }
0x66: {  	v59 =	vadd.f32 v13, v12;
	[tilespmem:s11+$0xC040] =	vst.add.f32.msk $0xffff, v55  }
0x67: {  	[tilespmem:s11+$0xC050] =	vst.add.f32.msk $0xffff, v57;
	v1 =	vadd.f32 v1, v6  }
0x68: {  	[tilespmem:s11+$0xC060] =	vst.add.f32.msk $0xffff, v59  }
0x69: {  	v0 =	vadd.f32 v7, v0;
	[tilespmem:s11+$0xC020] =	vst.add.f32.msk $0xffff, v1  }
0x6a: {  	v1 =	vld [tilespmem:s11+$0x160C0]  }
0x6b: {  	v61 =	vadd.f32 v15, v14;
	[tilespmem:s11+$0xC030] =	vst.add.f32.msk $0xffff, v0  }
0x6c: {  	v62 =	vadd.f32 v17, v16;
	v0 =	vld [tilespmem:s11+$0x110D0]  }
0x6d: {  	v63 =	vadd.f32 v19, v18;
	[tilespmem:s11+$0xC070] =	vst.add.f32.msk $0xffff, v61  }
0x6e: {  	[tilespmem:s11+$0xC080] =	vst.add.f32.msk $0xffff, v62;
	v3 =	vadd.f32 v3, v20  }
0x6f: {  	[tilespmem:s11+$0xC090] =	vst.add.f32.msk $0xffff, v63;
	v2 =	vadd.f32 v2, v21  }
0x70: {  	[tilespmem:s11+$0xC0A0] =	vst.add.f32.msk $0xffff, v3;
	v1 =	vadd.f32 v1, v54  }
0x71: {  	[tilespmem:s11+$0xC0B0] =	vst.add.f32.msk $0xffff, v2;
	v3 =	vadd.f32 v56, v0  }
0x72: {  	[tilespmem:s11+$0xC0C0] =	vst.add.f32.msk $0xffff, v1;
	v0 =	vadd.f32 v60, v58  }
0x73: {  	s12 =	simm.s32 $0x0;
	s13 =	simm.s32 $0x400;
	[tilespmem:s11+$0xC0D0] =	vst.add.f32.msk $0xffff, v3  }
.LBB2_2:
0x74: {  	[tilespmem:s11+$0xC0E0] =	vst.add.f32.msk $0xffff, v0;
	s11 =	sshra.s32 s13, $0x2  }
0x75: {  	s12 =	sadd.s32 $0x2, s12;
	v0 =	vld [tilespmem:s11+$0x110F0]  }
0x76: {  	p1 =	slt.u32 s12, $0x4E;
	v1 =	vld [tilespmem:s11+$0x160F0]  }
0x77: {  	v2 =	vld [tilespmem:s11+$0x11000]  }
0x78: {  	v3 =	vld [tilespmem:s11+$0x16000]  }
0x79: {  	v4 =	vld [tilespmem:s11+$0x11010]  }
0x7a: {  	v5 =	vld [tilespmem:s11+$0x16010]  }
0x7b: {  	v6 =	vld [tilespmem:s11+$0x11020];
	v0 =	vadd.f32 v1, v0  }
0x7c: {  	v1 =	vld [tilespmem:s11+$0x16020]  }
0x7d: {  	v2 =	vadd.f32 v3, v2;
	[tilespmem:s11+$0xC0F0] =	vst.add.f32.msk $0xffff, v0  }
0x7e: {  	v0 =	vld [tilespmem:s11+$0x11030]  }
0x7f: {  	v3 =	vadd.f32 v5, v4;
	v4 =	vld [tilespmem:s11+$0x16030]  }
0x80: {  	v5 =	vld [tilespmem:s11+$0x11040]  }
0x81: {  	v1 =	vadd.f32 v1, v6;
	v6 =	vld [tilespmem:s11+$0x16040]  }
0x82: {  	v7 =	vld [tilespmem:s11+$0x11050]  }
0x83: {  	v8 =	vld [tilespmem:s11+$0x16050]  }
0x84: {  	v0 =	vadd.f32 v4, v0;
	v4 =	vld [tilespmem:s11+$0x11060]  }
0x85: {  	v9 =	vld [tilespmem:s11+$0x16060]  }
0x86: {  	v5 =	vadd.f32 v6, v5;
	v6 =	vld [tilespmem:s11+$0x11070]  }
0x87: {  	v10 =	vld [tilespmem:s11+$0x16070]  }
0x88: {  	v7 =	vadd.f32 v8, v7;
	v8 =	vld [tilespmem:s11+$0x11080]  }
0x89: {  	v11 =	vld [tilespmem:s11+$0x16080]  }
0x8a: {  	v4 =	vadd.f32 v9, v4;
	v9 =	vld [tilespmem:s11+$0x11090]  }
0x8b: {  	v12 =	vld [tilespmem:s11+$0x16090]  }
0x8c: {  	v6 =	vadd.f32 v10, v6;
	v10 =	vld [tilespmem:s11+$0x110A0]  }
0x8d: {  	v13 =	vld [tilespmem:s11+$0x160A0]  }
0x8e: {  	v8 =	vadd.f32 v11, v8;
	v11 =	vld [tilespmem:s11+$0x110B0]  }
0x8f: {  	v14 =	vld [tilespmem:s11+$0x160B0]  }
0x90: {  	v9 =	vadd.f32 v12, v9;
	v12 =	vld [tilespmem:s11+$0x110C0]  }
0x91: {  	v15 =	vld [tilespmem:s11+$0x160C0]  }
0x92: {  	v10 =	vadd.f32 v13, v10;
	v13 =	vld [tilespmem:s11+$0x110D0]  }
0x93: {  	v16 =	vld [tilespmem:s11+$0x160D0]  }
0x94: {  	v11 =	vadd.f32 v14, v11;
	v14 =	vld [tilespmem:s11+$0x110E0]  }
0x95: {  	v17 =	vld [tilespmem:s11+$0x160E0]  }
0x96: {  	[tilespmem:s11+$0xC000] =	vst.add.f32.msk $0xffff, v2;
	v2 =	vadd.f32 v15, v12  }
0x97: {  	[tilespmem:s11+$0xC010] =	vst.add.f32.msk $0xffff, v3  }
0x98: {  	[tilespmem:s11+$0xC020] =	vst.add.f32.msk $0xffff, v1;
	v1 =	vadd.f32 v16, v13  }
0x99: {  	[tilespmem:s11+$0xC030] =	vst.add.f32.msk $0xffff, v0  }
0x9a: {  	[tilespmem:s11+$0xC040] =	vst.add.f32.msk $0xffff, v5;
	v0 =	vadd.f32 v17, v14  }
0x9b: {  	[tilespmem:s11+$0xC050] =	vst.add.f32.msk $0xffff, v7  }
0x9c: {  	[tilespmem:s11+$0xC060] =	vst.add.f32.msk $0xffff, v4  }
0x9d: {  	[tilespmem:s11+$0xC070] =	vst.add.f32.msk $0xffff, v6  }
0x9e: {  	[tilespmem:s11+$0xC080] =	vst.add.f32.msk $0xffff, v8  }
.Ltmp0:
0x9f: {  	[tilespmem:s11+$0xC090] =	vst.add.f32.msk $0xffff, v9;
	(pc) =	sbr.rel @p1 .LBB2_2-.Ltmp0, $4  }
0xa0: {  	[tilespmem:s11+$0xC0A0] =	vst.add.f32.msk $0xffff, v10  }
0xa1: {  	[tilespmem:s11+$0xC0B0] =	vst.add.f32.msk $0xffff, v11  }
0xa2: {  	[tilespmem:s11+$0xC0C0] =	vst.add.f32.msk $0xffff, v2  }
0xa3: {  	s13 =	sadd.s32 $0x400, s13;
	[tilespmem:s11+$0xC0D0] =	vst.add.f32.msk $0xffff, v1  }
0xa4: {  	[tilespmem:s11+$0xC0E0] =	vst.add.f32.msk $0xffff, v0  }
0xa5: {  	s23 =	simm.s32 $0x0;
	s11 =	rddreg [dreg:$0xb]  }
0xa6: {  	[hbm4b:s11+s23] =	stream.linear.scatter [tilespmem:s25], [sflag:$0x3], $0x2800, $0x38;
	[tilespmem:$0x1B960] =	vst v63  }
.LBB2_4:
0xa7: {  	_ =	swait.ge [sflag:s30], $0x2800  }
0xa8: {  	[sflag:s30] =	ssyncset.done $0x0  }
0xa9: {  	[sflag:s30] =	ssyncadd.s32 $0xFFFFD800  }
0xaa: {  	_ =	swait.ge [sflag:s30], $0x2800  }
0xab: {  	[sflag:s30] =	ssyncset.done $0x0  }
0xac: {  	[sflag:s30] =	ssyncadd.s32 $0xFFFFD800  }
0xad: {  	_ =	swait.ge [sflag:s30], $0x2800  }
0xae: {  	[sflag:s30] =	ssyncset.done $0x0  }
0xaf: {  	[sflag:s30] =	ssyncadd.s32 $0xFFFFD800  }
0xb0: {  	s11 =	sshll.u32 s23, $0x1;
	_ =	swait.ge [sflag:s2], $0x2800  }
0xb1: {  	s11 =	sadd.s32 $0x2, s11;
	[sflag:s2] =	ssyncset.done $0x0  }
0xb2: {  	s12 =	sshll.u32 s11, $0x7;
	[sflag:s2] =	ssyncadd.s32 $0xFFFFD800  }
0xb3: {  	[tilespmem:s25], [sflag:$0x1] =	stream.indirect.gather [spmem:s5], $0x80, s12, s24, $0xb8;
	[tilespmem:$0x1B960] =	vst v63  }
0xb4: {  	s13 =	sadd.s32 $0x4000, s12  }
0xb5: {  	[tilespmem:s26], [sflag:$0x1] =	stream.indirect.gather [spmem:s6], $0x80, s13, s24, $0xb8;
	[tilespmem:$0x1B960] =	vst v63  }
0xb6: {  	s12 =	sadd.s32 $0x8000, s12  }
0xb7: {  	[tilespmem:s28], [sflag:$0x1] =	stream.indirect.gather [spmem:s7], $0x80, s12, s24, $0xb8;
	[tilespmem:$0x1B960] =	vst v63  }
0xb8: {  	s12 =	simm.s32 $0x0  }
0xb9: {  	v0 =	vld [tilespmem:s12+$0x138F0]  }
0xba: {  	v1 =	vld [tilespmem:s12+$0x188F0]  }
0xbb: {  	v2 =	vld [tilespmem:s12+$0x13800]  }
0xbc: {  	v3 =	vld [tilespmem:s12+$0x18800]  }
0xbd: {  	v4 =	vld [tilespmem:s12+$0x13810]  }
0xbe: {  	v5 =	vld [tilespmem:s12+$0x18810]  }
0xbf: {  	v6 =	vld [tilespmem:s12+$0x13820]  }
0xc0: {  	v7 =	vld [tilespmem:s12+$0x18830]  }
0xc1: {  	v8 =	vld [tilespmem:s12+$0x13840]  }
0xc2: {  	v9 =	vld [tilespmem:s12+$0x18840]  }
0xc3: {  	v10 =	vld [tilespmem:s12+$0x13850]  }
0xc4: {  	v11 =	vld [tilespmem:s12+$0x18850]  }
0xc5: {  	v12 =	vld [tilespmem:s12+$0x13860]  }
0xc6: {  	v13 =	vld [tilespmem:s12+$0x18860]  }
0xc7: {  	v14 =	vld [tilespmem:s12+$0x13870]  }
0xc8: {  	v15 =	vld [tilespmem:s12+$0x18870]  }
0xc9: {  	v16 =	vld [tilespmem:s12+$0x13880]  }
0xca: {  	v17 =	vld [tilespmem:s12+$0x18880]  }
0xcb: {  	v18 =	vld [tilespmem:s12+$0x13890]  }
0xcc: {  	v19 =	vld [tilespmem:s12+$0x18890]  }
0xcd: {  	v20 =	vld [tilespmem:s12+$0x138A0]  }
0xce: {  	v21 =	vld [tilespmem:s12+$0x138B0]  }
0xcf: {  	v54 =	vld [tilespmem:s12+$0x138C0]  }
0xd0: {  	v56 =	vld [tilespmem:s12+$0x188D0]  }
0xd1: {  	v58 =	vld [tilespmem:s12+$0x138E0]  }
0xd2: {  	v60 =	vld [tilespmem:s12+$0x188E0]  }
0xd3: {  	v0 =	vadd.f32 v1, v0;
	v1 =	vld [tilespmem:s12+$0x18820]  }
0xd4: {  	v2 =	vadd.f32 v3, v2;
	v3 =	vld [tilespmem:s12+$0x188A0]  }
0xd5: {  	[tilespmem:s12+$0xE8F0] =	vst.add.f32.msk $0xffff, v0  }
0xd6: {  	v0 =	vld [tilespmem:s12+$0x13830]  }
0xd7: {  	v4 =	vadd.f32 v5, v4;
	[tilespmem:s12+$0xE800] =	vst.add.f32.msk $0xffff, v2  }
0xd8: {  	v55 =	vadd.f32 v9, v8;
	v2 =	vld [tilespmem:s12+$0x188B0]  }
0xd9: {  	v57 =	vadd.f32 v11, v10;
	[tilespmem:s12+$0xE810] =	vst.add.f32.msk $0xffff, v4  }
0xda: {  	v59 =	vadd.f32 v13, v12;
	[tilespmem:s12+$0xE840] =	vst.add.f32.msk $0xffff, v55  }
0xdb: {  	[tilespmem:s12+$0xE850] =	vst.add.f32.msk $0xffff, v57;
	v1 =	vadd.f32 v1, v6  }
0xdc: {  	[tilespmem:s12+$0xE860] =	vst.add.f32.msk $0xffff, v59  }
0xdd: {  	v0 =	vadd.f32 v7, v0;
	[tilespmem:s12+$0xE820] =	vst.add.f32.msk $0xffff, v1  }
0xde: {  	v1 =	vld [tilespmem:s12+$0x188C0]  }
0xdf: {  	v61 =	vadd.f32 v15, v14;
	[tilespmem:s12+$0xE830] =	vst.add.f32.msk $0xffff, v0  }
0xe0: {  	v62 =	vadd.f32 v17, v16;
	v0 =	vld [tilespmem:s12+$0x138D0]  }
0xe1: {  	v63 =	vadd.f32 v19, v18;
	[tilespmem:s12+$0xE870] =	vst.add.f32.msk $0xffff, v61  }
0xe2: {  	[tilespmem:s12+$0xE880] =	vst.add.f32.msk $0xffff, v62;
	v3 =	vadd.f32 v3, v20  }
0xe3: {  	[tilespmem:s12+$0xE890] =	vst.add.f32.msk $0xffff, v63;
	v2 =	vadd.f32 v2, v21  }
0xe4: {  	[tilespmem:s12+$0xE8A0] =	vst.add.f32.msk $0xffff, v3;
	v1 =	vadd.f32 v1, v54  }
0xe5: {  	[tilespmem:s12+$0xE8B0] =	vst.add.f32.msk $0xffff, v2;
	v3 =	vadd.f32 v56, v0  }
0xe6: {  	[tilespmem:s12+$0xE8C0] =	vst.add.f32.msk $0xffff, v1;
	v0 =	vadd.f32 v60, v58  }
0xe7: {  	s15 =	simm.s32 $0x400;
	s13 =	simm.s32 $0x0;
	[tilespmem:s12+$0xE8D0] =	vst.add.f32.msk $0xffff, v3  }
.LBB2_5:
0xe8: {  	[tilespmem:s12+$0xE8E0] =	vst.add.f32.msk $0xffff, v0;
	s12 =	sshra.s32 s15, $0x2  }
0xe9: {  	s13 =	sadd.s32 $0x2, s13;
	v0 =	vld [tilespmem:s12+$0x138F0]  }
0xea: {  	p1 =	slt.u32 s13, $0x4E;
	v1 =	vld [tilespmem:s12+$0x188F0]  }
0xeb: {  	v2 =	vld [tilespmem:s12+$0x13800]  }
0xec: {  	v3 =	vld [tilespmem:s12+$0x18800]  }
0xed: {  	v4 =	vld [tilespmem:s12+$0x13810]  }
0xee: {  	v5 =	vld [tilespmem:s12+$0x18810]  }
0xef: {  	v6 =	vld [tilespmem:s12+$0x13820];
	v0 =	vadd.f32 v1, v0  }
0xf0: {  	v1 =	vld [tilespmem:s12+$0x18820]  }
0xf1: {  	v2 =	vadd.f32 v3, v2;
	[tilespmem:s12+$0xE8F0] =	vst.add.f32.msk $0xffff, v0  }
0xf2: {  	v0 =	vld [tilespmem:s12+$0x13830]  }
0xf3: {  	v3 =	vadd.f32 v5, v4;
	v4 =	vld [tilespmem:s12+$0x18830]  }
0xf4: {  	v5 =	vld [tilespmem:s12+$0x13840]  }
0xf5: {  	v1 =	vadd.f32 v1, v6;
	v6 =	vld [tilespmem:s12+$0x18840]  }
0xf6: {  	v7 =	vld [tilespmem:s12+$0x13850]  }
0xf7: {  	v8 =	vld [tilespmem:s12+$0x18850]  }
0xf8: {  	v0 =	vadd.f32 v4, v0;
	v4 =	vld [tilespmem:s12+$0x13860]  }
0xf9: {  	v9 =	vld [tilespmem:s12+$0x18860]  }
0xfa: {  	v5 =	vadd.f32 v6, v5;
	v6 =	vld [tilespmem:s12+$0x13870]  }
0xfb: {  	v10 =	vld [tilespmem:s12+$0x18870]  }
0xfc: {  	v7 =	vadd.f32 v8, v7;
	v8 =	vld [tilespmem:s12+$0x13880]  }
0xfd: {  	v11 =	vld [tilespmem:s12+$0x18880]  }
0xfe: {  	v4 =	vadd.f32 v9, v4;
	v9 =	vld [tilespmem:s12+$0x13890]  }
0xff: {  	v12 =	vld [tilespmem:s12+$0x18890]  }
0x100: {  	v6 =	vadd.f32 v10, v6;
	v10 =	vld [tilespmem:s12+$0x138A0]  }
0x101: {  	v13 =	vld [tilespmem:s12+$0x188A0]  }
0x102: {  	v8 =	vadd.f32 v11, v8;
	v11 =	vld [tilespmem:s12+$0x138B0]  }
0x103: {  	v14 =	vld [tilespmem:s12+$0x188B0]  }
0x104: {  	v9 =	vadd.f32 v12, v9;
	v12 =	vld [tilespmem:s12+$0x138C0]  }
0x105: {  	v15 =	vld [tilespmem:s12+$0x188C0]  }
0x106: {  	v10 =	vadd.f32 v13, v10;
	v13 =	vld [tilespmem:s12+$0x138D0]  }
0x107: {  	v16 =	vld [tilespmem:s12+$0x188D0]  }
0x108: {  	v11 =	vadd.f32 v14, v11;
	v14 =	vld [tilespmem:s12+$0x138E0]  }
0x109: {  	v17 =	vld [tilespmem:s12+$0x188E0]  }
0x10a: {  	[tilespmem:s12+$0xE800] =	vst.add.f32.msk $0xffff, v2;
	v2 =	vadd.f32 v15, v12  }
0x10b: {  	[tilespmem:s12+$0xE810] =	vst.add.f32.msk $0xffff, v3  }
0x10c: {  	[tilespmem:s12+$0xE820] =	vst.add.f32.msk $0xffff, v1;
	v1 =	vadd.f32 v16, v13  }
0x10d: {  	[tilespmem:s12+$0xE830] =	vst.add.f32.msk $0xffff, v0  }
0x10e: {  	[tilespmem:s12+$0xE840] =	vst.add.f32.msk $0xffff, v5;
	v0 =	vadd.f32 v17, v14  }
0x10f: {  	[tilespmem:s12+$0xE850] =	vst.add.f32.msk $0xffff, v7  }
0x110: {  	[tilespmem:s12+$0xE860] =	vst.add.f32.msk $0xffff, v4  }
0x111: {  	[tilespmem:s12+$0xE870] =	vst.add.f32.msk $0xffff, v6  }
0x112: {  	[tilespmem:s12+$0xE880] =	vst.add.f32.msk $0xffff, v8  }
.Ltmp1:
0x113: {  	[tilespmem:s12+$0xE890] =	vst.add.f32.msk $0xffff, v9;
	(pc) =	sbr.rel @p1 .LBB2_5-.Ltmp1, $4  }
0x114: {  	[tilespmem:s12+$0xE8A0] =	vst.add.f32.msk $0xffff, v10  }
0x115: {  	[tilespmem:s12+$0xE8B0] =	vst.add.f32.msk $0xffff, v11  }
0x116: {  	[tilespmem:s12+$0xE8C0] =	vst.add.f32.msk $0xffff, v2  }
0x117: {  	s15 =	sadd.s32 $0x400, s15;
	[tilespmem:s12+$0xE8D0] =	vst.add.f32.msk $0xffff, v1  }
0x118: {  	s13 =	smul.u32 $0xA0, s23;
	_ =	sdelay $0x1  }
0x119: {  	s13 =	sadd.s32 s13, s14  }
0x11a: {  	s13 =	sshll.u32 s13, $0x4  }
0x11b: {  	[tilespmem:s12+$0xE8E0] =	vst.add.f32.msk $0xffff, v0;
	s15 =	simm.s32 $0x0;
	s13 =	sadd.s32 s4, s13  }
0x11c: {  	[hbm4b:s13+s15] =	stream.linear.scatter [tilespmem:s31], [sflag:$0x4], $0x2800, $0x38;
	[tilespmem:$0x1B960] =	vst v63  }
0x11d: {  	_ =	swait.ge [sflag:s29], $0x2800  }
0x11e: {  	[sflag:s29] =	ssyncset.done $0x0  }
0x11f: {  	[sflag:s29] =	ssyncadd.s32 $0xFFFFD800  }
0x120: {  	_ =	swait.ge [sflag:s29], $0x2800  }
0x121: {  	[sflag:s29] =	ssyncset.done $0x0  }
0x122: {  	[sflag:s29] =	ssyncadd.s32 $0xFFFFD800  }
0x123: {  	_ =	swait.ge [sflag:s29], $0x2800  }
0x124: {  	[sflag:s29] =	ssyncset.done $0x0  }
0x125: {  	[sflag:s29] =	ssyncadd.s32 $0xFFFFD800  }
0x126: {  	_ =	swait.ge [sflag:s1], $0x2800  }
0x127: {  	s12 =	sshll.u32 s23, $0x8;
	[sflag:s1] =	ssyncset.done $0x0  }
0x128: {  	s15 =	sadd.s32 $0x180, s12;
	[sflag:s1] =	ssyncadd.s32 $0xFFFFD800  }
0x129: {  	[tilespmem:s31], [sflag:$0x2] =	stream.indirect.gather [spmem:s5], $0x80, s15, s24, $0xb8;
	[tilespmem:$0x1B960] =	vst v63  }
0x12a: {  	s15 =	sadd.s32 $0x4180, s12  }
0x12b: {  	[tilespmem:s0], [sflag:$0x2] =	stream.indirect.gather [spmem:s6], $0x80, s15, s24, $0xb8;
	[tilespmem:$0x1B960] =	vst v63  }
0x12c: {  	s12 =	sadd.s32 $0x8180, s12  }
0x12d: {  	[tilespmem:s3], [sflag:$0x2] =	stream.indirect.gather [spmem:s7], $0x80, s12, s24, $0xb8;
	[tilespmem:$0x1B960] =	vst v63  }
0x12e: {  	s12 =	simm.s32 $0x0  }
0x12f: {  	v0 =	vld [tilespmem:s12+$0x110F0]  }
0x130: {  	v1 =	vld [tilespmem:s12+$0x160F0]  }
0x131: {  	v2 =	vld [tilespmem:s12+$0x11000]  }
0x132: {  	v3 =	vld [tilespmem:s12+$0x16000]  }
0x133: {  	v4 =	vld [tilespmem:s12+$0x11010]  }
0x134: {  	v5 =	vld [tilespmem:s12+$0x16010]  }
0x135: {  	v6 =	vld [tilespmem:s12+$0x11020]  }
0x136: {  	v7 =	vld [tilespmem:s12+$0x16030]  }
0x137: {  	v8 =	vld [tilespmem:s12+$0x11040]  }
0x138: {  	v9 =	vld [tilespmem:s12+$0x16040]  }
0x139: {  	v10 =	vld [tilespmem:s12+$0x11050]  }
0x13a: {  	v11 =	vld [tilespmem:s12+$0x16050]  }
0x13b: {  	v12 =	vld [tilespmem:s12+$0x11060]  }
0x13c: {  	v13 =	vld [tilespmem:s12+$0x16060]  }
0x13d: {  	v14 =	vld [tilespmem:s12+$0x11070]  }
0x13e: {  	v15 =	vld [tilespmem:s12+$0x16070]  }
0x13f: {  	v16 =	vld [tilespmem:s12+$0x11080]  }
0x140: {  	v17 =	vld [tilespmem:s12+$0x16080]  }
0x141: {  	v18 =	vld [tilespmem:s12+$0x11090]  }
0x142: {  	v19 =	vld [tilespmem:s12+$0x16090]  }
0x143: {  	v20 =	vld [tilespmem:s12+$0x110A0]  }
0x144: {  	v21 =	vld [tilespmem:s12+$0x110B0]  }
0x145: {  	v54 =	vld [tilespmem:s12+$0x110C0]  }
0x146: {  	v56 =	vld [tilespmem:s12+$0x160D0]  }
0x147: {  	v58 =	vld [tilespmem:s12+$0x110E0]  }
0x148: {  	v60 =	vld [tilespmem:s12+$0x160E0]  }
0x149: {  	v0 =	vadd.f32 v1, v0;
	v1 =	vld [tilespmem:s12+$0x16020]  }
0x14a: {  	v2 =	vadd.f32 v3, v2;
	v3 =	vld [tilespmem:s12+$0x160A0]  }
0x14b: {  	[tilespmem:s12+$0xC0F0] =	vst.add.f32.msk $0xffff, v0  }
0x14c: {  	v0 =	vld [tilespmem:s12+$0x11030]  }
0x14d: {  	v4 =	vadd.f32 v5, v4;
	[tilespmem:s12+$0xC000] =	vst.add.f32.msk $0xffff, v2  }
0x14e: {  	v55 =	vadd.f32 v9, v8;
	v2 =	vld [tilespmem:s12+$0x160B0]  }
0x14f: {  	v57 =	vadd.f32 v11, v10;
	[tilespmem:s12+$0xC010] =	vst.add.f32.msk $0xffff, v4  }
0x150: {  	v59 =	vadd.f32 v13, v12;
	[tilespmem:s12+$0xC040] =	vst.add.f32.msk $0xffff, v55  }
0x151: {  	[tilespmem:s12+$0xC050] =	vst.add.f32.msk $0xffff, v57;
	v1 =	vadd.f32 v1, v6  }
0x152: {  	[tilespmem:s12+$0xC060] =	vst.add.f32.msk $0xffff, v59  }
0x153: {  	v0 =	vadd.f32 v7, v0;
	[tilespmem:s12+$0xC020] =	vst.add.f32.msk $0xffff, v1  }
0x154: {  	v1 =	vld [tilespmem:s12+$0x160C0]  }
0x155: {  	v61 =	vadd.f32 v15, v14;
	[tilespmem:s12+$0xC030] =	vst.add.f32.msk $0xffff, v0  }
0x156: {  	v62 =	vadd.f32 v17, v16;
	v0 =	vld [tilespmem:s12+$0x110D0]  }
0x157: {  	v63 =	vadd.f32 v19, v18;
	[tilespmem:s12+$0xC070] =	vst.add.f32.msk $0xffff, v61  }
0x158: {  	[tilespmem:s12+$0xC080] =	vst.add.f32.msk $0xffff, v62;
	v3 =	vadd.f32 v3, v20  }
0x159: {  	[tilespmem:s12+$0xC090] =	vst.add.f32.msk $0xffff, v63;
	v2 =	vadd.f32 v2, v21  }
0x15a: {  	[tilespmem:s12+$0xC0A0] =	vst.add.f32.msk $0xffff, v3;
	v1 =	vadd.f32 v1, v54  }
0x15b: {  	[tilespmem:s12+$0xC0B0] =	vst.add.f32.msk $0xffff, v2;
	v3 =	vadd.f32 v56, v0  }
0x15c: {  	[tilespmem:s12+$0xC0C0] =	vst.add.f32.msk $0xffff, v1;
	v0 =	vadd.f32 v60, v58  }
0x15d: {  	s13 =	simm.s32 $0x0;
	s15 =	simm.s32 $0x400;
	[tilespmem:s12+$0xC0D0] =	vst.add.f32.msk $0xffff, v3  }
.LBB2_7:
0x15e: {  	[tilespmem:s12+$0xC0E0] =	vst.add.f32.msk $0xffff, v0;
	s12 =	sshra.s32 s15, $0x2  }
0x15f: {  	s13 =	sadd.s32 $0x2, s13;
	v0 =	vld [tilespmem:s12+$0x110F0]  }
0x160: {  	p1 =	slt.u32 s13, $0x4E;
	v1 =	vld [tilespmem:s12+$0x160F0]  }
0x161: {  	v2 =	vld [tilespmem:s12+$0x11000]  }
0x162: {  	v3 =	vld [tilespmem:s12+$0x16000]  }
0x163: {  	v4 =	vld [tilespmem:s12+$0x11010]  }
0x164: {  	v5 =	vld [tilespmem:s12+$0x16010]  }
0x165: {  	v6 =	vld [tilespmem:s12+$0x11020];
	v0 =	vadd.f32 v1, v0  }
0x166: {  	v1 =	vld [tilespmem:s12+$0x16020]  }
0x167: {  	v2 =	vadd.f32 v3, v2;
	[tilespmem:s12+$0xC0F0] =	vst.add.f32.msk $0xffff, v0  }
0x168: {  	v0 =	vld [tilespmem:s12+$0x11030]  }
0x169: {  	v3 =	vadd.f32 v5, v4;
	v4 =	vld [tilespmem:s12+$0x16030]  }
0x16a: {  	v5 =	vld [tilespmem:s12+$0x11040]  }
0x16b: {  	v1 =	vadd.f32 v1, v6;
	v6 =	vld [tilespmem:s12+$0x16040]  }
0x16c: {  	v7 =	vld [tilespmem:s12+$0x11050]  }
0x16d: {  	v8 =	vld [tilespmem:s12+$0x16050]  }
0x16e: {  	v0 =	vadd.f32 v4, v0;
	v4 =	vld [tilespmem:s12+$0x11060]  }
0x16f: {  	v9 =	vld [tilespmem:s12+$0x16060]  }
0x170: {  	v5 =	vadd.f32 v6, v5;
	v6 =	vld [tilespmem:s12+$0x11070]  }
0x171: {  	v10 =	vld [tilespmem:s12+$0x16070]  }
0x172: {  	v7 =	vadd.f32 v8, v7;
	v8 =	vld [tilespmem:s12+$0x11080]  }
0x173: {  	v11 =	vld [tilespmem:s12+$0x16080]  }
0x174: {  	v4 =	vadd.f32 v9, v4;
	v9 =	vld [tilespmem:s12+$0x11090]  }
0x175: {  	v12 =	vld [tilespmem:s12+$0x16090]  }
0x176: {  	v6 =	vadd.f32 v10, v6;
	v10 =	vld [tilespmem:s12+$0x110A0]  }
0x177: {  	v13 =	vld [tilespmem:s12+$0x160A0]  }
0x178: {  	v8 =	vadd.f32 v11, v8;
	v11 =	vld [tilespmem:s12+$0x110B0]  }
0x179: {  	v14 =	vld [tilespmem:s12+$0x160B0]  }
0x17a: {  	v9 =	vadd.f32 v12, v9;
	v12 =	vld [tilespmem:s12+$0x110C0]  }
0x17b: {  	v15 =	vld [tilespmem:s12+$0x160C0]  }
0x17c: {  	v10 =	vadd.f32 v13, v10;
	v13 =	vld [tilespmem:s12+$0x110D0]  }
0x17d: {  	v16 =	vld [tilespmem:s12+$0x160D0]  }
0x17e: {  	v11 =	vadd.f32 v14, v11;
	v14 =	vld [tilespmem:s12+$0x110E0]  }
0x17f: {  	v17 =	vld [tilespmem:s12+$0x160E0]  }
0x180: {  	[tilespmem:s12+$0xC000] =	vst.add.f32.msk $0xffff, v2;
	v2 =	vadd.f32 v15, v12  }
0x181: {  	[tilespmem:s12+$0xC010] =	vst.add.f32.msk $0xffff, v3  }
0x182: {  	[tilespmem:s12+$0xC020] =	vst.add.f32.msk $0xffff, v1;
	v1 =	vadd.f32 v16, v13  }
0x183: {  	[tilespmem:s12+$0xC030] =	vst.add.f32.msk $0xffff, v0  }
0x184: {  	[tilespmem:s12+$0xC040] =	vst.add.f32.msk $0xffff, v5;
	v0 =	vadd.f32 v17, v14  }
0x185: {  	[tilespmem:s12+$0xC050] =	vst.add.f32.msk $0xffff, v7  }
0x186: {  	[tilespmem:s12+$0xC060] =	vst.add.f32.msk $0xffff, v4  }
0x187: {  	[tilespmem:s12+$0xC070] =	vst.add.f32.msk $0xffff, v6  }
0x188: {  	[tilespmem:s12+$0xC080] =	vst.add.f32.msk $0xffff, v8  }
.Ltmp2:
0x189: {  	[tilespmem:s12+$0xC090] =	vst.add.f32.msk $0xffff, v9;
	(pc) =	sbr.rel @p1 .LBB2_7-.Ltmp2, $4  }
0x18a: {  	[tilespmem:s12+$0xC0A0] =	vst.add.f32.msk $0xffff, v10  }
0x18b: {  	[tilespmem:s12+$0xC0B0] =	vst.add.f32.msk $0xffff, v11  }
0x18c: {  	[tilespmem:s12+$0xC0C0] =	vst.add.f32.msk $0xffff, v2  }
0x18d: {  	s15 =	sadd.s32 $0x400, s15;
	[tilespmem:s12+$0xC0D0] =	vst.add.f32.msk $0xffff, v1  }
0x18e: {  	s23 =	sadd.s32 $0x1, s23  }
0x18f: {  	s11 =	smul.u32 $0x50, s11;
	p1 =	sne.s32 s23, $0x3D  }
.Ltmp3:
0x190: {  	_ = 	snop;
	(pc) =	sbr.rel @p1 .LBB2_4-.Ltmp3, $4  }
0x191: {  	s11 =	sadd.s32 s9, s11  }
0x192: {  	s11 =	sshll.u32 s11, $0x4  }
0x193: {  	[tilespmem:s12+$0xC0E0] =	vst.add.f32.msk $0xffff, v0;
	s11 =	sadd.s32 s4, s11  }
0x194: {  	[hbm4b:s11+s8] =	stream.linear.scatter [tilespmem:s25], [sflag:$0x3], $0x2800, $0x38;
	[tilespmem:$0x1B960] =	vst v63  }
0x195: {  	_ =	swait.ge [sflag:s30], $0x2800  }
0x196: {  	[sflag:s30] =	ssyncset.done $0x0  }
0x197: {  	[sflag:s30] =	ssyncadd.s32 $0xFFFFD800  }
0x198: {  	_ =	swait.ge [sflag:s30], $0x2800  }
0x199: {  	[sflag:s30] =	ssyncset.done $0x0  }
0x19a: {  	[sflag:s30] =	ssyncadd.s32 $0xFFFFD800  }
0x19b: {  	_ =	swait.ge [sflag:s30], $0x2800  }
0x19c: {  	[sflag:s30] =	ssyncset.done $0x0  }
0x19d: {  	[sflag:s30] =	ssyncadd.s32 $0xFFFFD800  }
0x19e: {  	_ =	swait.ge [sflag:s2], $0x2800  }
0x19f: {  	[sflag:s2] =	ssyncset.done $0x0  }
0x1a0: {  	s11 =	simm.s32 $0x3E00;
	[sflag:s2] =	ssyncadd.s32 $0xFFFFD800  }
0x1a1: {  	[tilespmem:s25], [sflag:$0x1] =	stream.indirect.gather [spmem:s5], $0x80, s11, s24, $0xb8;
	[tilespmem:$0x1B960] =	vst v63  }
0x1a2: {  	s15 =	simm.s32 $0x7E00  }
0x1a3: {  	[tilespmem:s26], [sflag:$0x1] =	stream.indirect.gather [spmem:s6], $0x80, s15, s24, $0xb8;
	[tilespmem:$0x1B960] =	vst v63  }
0x1a4: {  	s23 =	simm.s32 $0xBE00;
	s11 =	simm.s32 $0x0  }
0x1a5: {  	[tilespmem:s28], [sflag:$0x1] =	stream.indirect.gather [spmem:s7], $0x80, s23, s24, $0xb8;
	[tilespmem:$0x1B960] =	vst v63  }
0x1a6: {  	v0 =	vld [tilespmem:s11+$0x138F0]  }
0x1a7: {  	v1 =	vld [tilespmem:s11+$0x188F0]  }
0x1a8: {  	v2 =	vld [tilespmem:s11+$0x13800]  }
0x1a9: {  	v3 =	vld [tilespmem:s11+$0x18800]  }
0x1aa: {  	v4 =	vld [tilespmem:s11+$0x13810]  }
0x1ab: {  	v5 =	vld [tilespmem:s11+$0x18810]  }
0x1ac: {  	v6 =	vld [tilespmem:s11+$0x13820]  }
0x1ad: {  	v7 =	vld [tilespmem:s11+$0x18830]  }
0x1ae: {  	v8 =	vld [tilespmem:s11+$0x13840]  }
0x1af: {  	v9 =	vld [tilespmem:s11+$0x18840]  }
0x1b0: {  	v10 =	vld [tilespmem:s11+$0x13850]  }
0x1b1: {  	v11 =	vld [tilespmem:s11+$0x18850]  }
0x1b2: {  	v12 =	vld [tilespmem:s11+$0x13860]  }
0x1b3: {  	v13 =	vld [tilespmem:s11+$0x18860]  }
0x1b4: {  	v14 =	vld [tilespmem:s11+$0x13870]  }
0x1b5: {  	v15 =	vld [tilespmem:s11+$0x18870]  }
0x1b6: {  	v16 =	vld [tilespmem:s11+$0x13880]  }
0x1b7: {  	v17 =	vld [tilespmem:s11+$0x18880]  }
0x1b8: {  	v18 =	vld [tilespmem:s11+$0x13890]  }
0x1b9: {  	v19 =	vld [tilespmem:s11+$0x18890]  }
0x1ba: {  	v20 =	vld [tilespmem:s11+$0x138A0]  }
0x1bb: {  	v21 =	vld [tilespmem:s11+$0x138B0]  }
0x1bc: {  	v54 =	vld [tilespmem:s11+$0x138C0]  }
0x1bd: {  	v56 =	vld [tilespmem:s11+$0x188D0]  }
0x1be: {  	v58 =	vld [tilespmem:s11+$0x138E0]  }
0x1bf: {  	v60 =	vld [tilespmem:s11+$0x188E0]  }
0x1c0: {  	v0 =	vadd.f32 v1, v0;
	v1 =	vld [tilespmem:s11+$0x18820]  }
0x1c1: {  	v2 =	vadd.f32 v3, v2;
	v3 =	vld [tilespmem:s11+$0x188A0]  }
0x1c2: {  	[tilespmem:s11+$0xE8F0] =	vst.add.f32.msk $0xffff, v0  }
0x1c3: {  	v0 =	vld [tilespmem:s11+$0x13830]  }
0x1c4: {  	v4 =	vadd.f32 v5, v4;
	[tilespmem:s11+$0xE800] =	vst.add.f32.msk $0xffff, v2  }
0x1c5: {  	v55 =	vadd.f32 v9, v8;
	v2 =	vld [tilespmem:s11+$0x188B0]  }
0x1c6: {  	v57 =	vadd.f32 v11, v10;
	[tilespmem:s11+$0xE810] =	vst.add.f32.msk $0xffff, v4  }
0x1c7: {  	v59 =	vadd.f32 v13, v12;
	[tilespmem:s11+$0xE840] =	vst.add.f32.msk $0xffff, v55  }
0x1c8: {  	[tilespmem:s11+$0xE850] =	vst.add.f32.msk $0xffff, v57;
	v1 =	vadd.f32 v1, v6  }
0x1c9: {  	[tilespmem:s11+$0xE860] =	vst.add.f32.msk $0xffff, v59  }
0x1ca: {  	v0 =	vadd.f32 v7, v0;
	[tilespmem:s11+$0xE820] =	vst.add.f32.msk $0xffff, v1  }
0x1cb: {  	v1 =	vld [tilespmem:s11+$0x188C0]  }
0x1cc: {  	v61 =	vadd.f32 v15, v14;
	[tilespmem:s11+$0xE830] =	vst.add.f32.msk $0xffff, v0  }
0x1cd: {  	v62 =	vadd.f32 v17, v16;
	v0 =	vld [tilespmem:s11+$0x138D0]  }
0x1ce: {  	v63 =	vadd.f32 v19, v18;
	[tilespmem:s11+$0xE870] =	vst.add.f32.msk $0xffff, v61  }
0x1cf: {  	[tilespmem:s11+$0xE880] =	vst.add.f32.msk $0xffff, v62;
	v3 =	vadd.f32 v3, v20  }
0x1d0: {  	[tilespmem:s11+$0xE890] =	vst.add.f32.msk $0xffff, v63;
	v2 =	vadd.f32 v2, v21  }
0x1d1: {  	[tilespmem:s11+$0xE8A0] =	vst.add.f32.msk $0xffff, v3;
	v1 =	vadd.f32 v1, v54  }
0x1d2: {  	[tilespmem:s11+$0xE8B0] =	vst.add.f32.msk $0xffff, v2;
	v3 =	vadd.f32 v56, v0  }
0x1d3: {  	[tilespmem:s11+$0xE8C0] =	vst.add.f32.msk $0xffff, v1;
	v0 =	vadd.f32 v60, v58  }
0x1d4: {  	s12 =	simm.s32 $0x0;
	s13 =	simm.s32 $0x400;
	[tilespmem:s11+$0xE8D0] =	vst.add.f32.msk $0xffff, v3  }
.LBB2_10:
0x1d5: {  	[tilespmem:s11+$0xE8E0] =	vst.add.f32.msk $0xffff, v0;
	s11 =	sshra.s32 s13, $0x2  }
0x1d6: {  	s12 =	sadd.s32 $0x2, s12;
	v0 =	vld [tilespmem:s11+$0x138F0]  }
0x1d7: {  	p1 =	slt.u32 s12, $0x4E;
	v1 =	vld [tilespmem:s11+$0x188F0]  }
0x1d8: {  	v2 =	vld [tilespmem:s11+$0x13800]  }
0x1d9: {  	v3 =	vld [tilespmem:s11+$0x18800]  }
0x1da: {  	v4 =	vld [tilespmem:s11+$0x13810]  }
0x1db: {  	v5 =	vld [tilespmem:s11+$0x18810]  }
0x1dc: {  	v6 =	vld [tilespmem:s11+$0x13820];
	v0 =	vadd.f32 v1, v0  }
0x1dd: {  	v1 =	vld [tilespmem:s11+$0x18820]  }
0x1de: {  	v2 =	vadd.f32 v3, v2;
	[tilespmem:s11+$0xE8F0] =	vst.add.f32.msk $0xffff, v0  }
0x1df: {  	v0 =	vld [tilespmem:s11+$0x13830]  }
0x1e0: {  	v3 =	vadd.f32 v5, v4;
	v4 =	vld [tilespmem:s11+$0x18830]  }
0x1e1: {  	v5 =	vld [tilespmem:s11+$0x13840]  }
0x1e2: {  	v1 =	vadd.f32 v1, v6;
	v6 =	vld [tilespmem:s11+$0x18840]  }
0x1e3: {  	v7 =	vld [tilespmem:s11+$0x13850]  }
0x1e4: {  	v8 =	vld [tilespmem:s11+$0x18850]  }
0x1e5: {  	v0 =	vadd.f32 v4, v0;
	v4 =	vld [tilespmem:s11+$0x13860]  }
0x1e6: {  	v9 =	vld [tilespmem:s11+$0x18860]  }
0x1e7: {  	v5 =	vadd.f32 v6, v5;
	v6 =	vld [tilespmem:s11+$0x13870]  }
0x1e8: {  	v10 =	vld [tilespmem:s11+$0x18870]  }
0x1e9: {  	v7 =	vadd.f32 v8, v7;
	v8 =	vld [tilespmem:s11+$0x13880]  }
0x1ea: {  	v11 =	vld [tilespmem:s11+$0x18880]  }
0x1eb: {  	v4 =	vadd.f32 v9, v4;
	v9 =	vld [tilespmem:s11+$0x13890]  }
0x1ec: {  	v12 =	vld [tilespmem:s11+$0x18890]  }
0x1ed: {  	v6 =	vadd.f32 v10, v6;
	v10 =	vld [tilespmem:s11+$0x138A0]  }
0x1ee: {  	v13 =	vld [tilespmem:s11+$0x188A0]  }
0x1ef: {  	v8 =	vadd.f32 v11, v8;
	v11 =	vld [tilespmem:s11+$0x138B0]  }
0x1f0: {  	v14 =	vld [tilespmem:s11+$0x188B0]  }
0x1f1: {  	v9 =	vadd.f32 v12, v9;
	v12 =	vld [tilespmem:s11+$0x138C0]  }
0x1f2: {  	v15 =	vld [tilespmem:s11+$0x188C0]  }
0x1f3: {  	v10 =	vadd.f32 v13, v10;
	v13 =	vld [tilespmem:s11+$0x138D0]  }
0x1f4: {  	v16 =	vld [tilespmem:s11+$0x188D0]  }
0x1f5: {  	v11 =	vadd.f32 v14, v11;
	v14 =	vld [tilespmem:s11+$0x138E0]  }
0x1f6: {  	v17 =	vld [tilespmem:s11+$0x188E0]  }
0x1f7: {  	[tilespmem:s11+$0xE800] =	vst.add.f32.msk $0xffff, v2;
	v2 =	vadd.f32 v15, v12  }
0x1f8: {  	[tilespmem:s11+$0xE810] =	vst.add.f32.msk $0xffff, v3  }
0x1f9: {  	[tilespmem:s11+$0xE820] =	vst.add.f32.msk $0xffff, v1;
	v1 =	vadd.f32 v16, v13  }
0x1fa: {  	[tilespmem:s11+$0xE830] =	vst.add.f32.msk $0xffff, v0  }
0x1fb: {  	[tilespmem:s11+$0xE840] =	vst.add.f32.msk $0xffff, v5;
	v0 =	vadd.f32 v17, v14  }
0x1fc: {  	[tilespmem:s11+$0xE850] =	vst.add.f32.msk $0xffff, v7  }
0x1fd: {  	[tilespmem:s11+$0xE860] =	vst.add.f32.msk $0xffff, v4  }
0x1fe: {  	[tilespmem:s11+$0xE870] =	vst.add.f32.msk $0xffff, v6  }
0x1ff: {  	[tilespmem:s11+$0xE880] =	vst.add.f32.msk $0xffff, v8  }
.Ltmp4:
0x200: {  	[tilespmem:s11+$0xE890] =	vst.add.f32.msk $0xffff, v9;
	(pc) =	sbr.rel @p1 .LBB2_10-.Ltmp4, $4  }
0x201: {  	[tilespmem:s11+$0xE8A0] =	vst.add.f32.msk $0xffff, v10  }
0x202: {  	[tilespmem:s11+$0xE8B0] =	vst.add.f32.msk $0xffff, v11  }
0x203: {  	[tilespmem:s11+$0xE8C0] =	vst.add.f32.msk $0xffff, v2  }
0x204: {  	s13 =	sadd.s32 $0x400, s13;
	[tilespmem:s11+$0xE8D0] =	vst.add.f32.msk $0xffff, v1  }
0x205: {  	[tilespmem:s11+$0xE8E0] =	vst.add.f32.msk $0xffff, v0  }
0x206: {  	s23 =	simm.s32 $0x0;
	s12 =	rddreg [dreg:$0xc]  }
0x207: {  	[hbm4b:s12+s23] =	stream.linear.scatter [tilespmem:s31], [sflag:$0x4], $0x2800, $0x38;
	[tilespmem:$0x1B960] =	vst v63  }
0x208: {  	_ =	swait.ge [sflag:s29], $0x2800  }
0x209: {  	[sflag:s29] =	ssyncset.done $0x0  }
0x20a: {  	[sflag:s29] =	ssyncadd.s32 $0xFFFFD800  }
0x20b: {  	_ =	swait.ge [sflag:s29], $0x2800  }
0x20c: {  	[sflag:s29] =	ssyncset.done $0x0  }
0x20d: {  	[sflag:s29] =	ssyncadd.s32 $0xFFFFD800  }
0x20e: {  	_ =	swait.ge [sflag:s29], $0x2800  }
0x20f: {  	[sflag:s29] =	ssyncset.done $0x0  }
0x210: {  	[sflag:s29] =	ssyncadd.s32 $0xFFFFD800  }
0x211: {  	_ =	swait.ge [sflag:s1], $0x2800  }
0x212: {  	[sflag:s1] =	ssyncset.done $0x0  }
0x213: {  	s11 =	simm.s32 $0x0;
	[sflag:s1] =	ssyncadd.s32 $0xFFFFD800  }
0x214: {  	v0 =	vld [tilespmem:s11+$0x110F0]  }
0x215: {  	v1 =	vld [tilespmem:s11+$0x160F0]  }
0x216: {  	v2 =	vld [tilespmem:s11+$0x11000]  }
0x217: {  	v3 =	vld [tilespmem:s11+$0x16000]  }
0x218: {  	v4 =	vld [tilespmem:s11+$0x11010]  }
0x219: {  	v5 =	vld [tilespmem:s11+$0x16010]  }
0x21a: {  	v6 =	vld [tilespmem:s11+$0x11020]  }
0x21b: {  	v7 =	vld [tilespmem:s11+$0x16030]  }
0x21c: {  	v8 =	vld [tilespmem:s11+$0x11040]  }
0x21d: {  	v9 =	vld [tilespmem:s11+$0x16040]  }
0x21e: {  	v10 =	vld [tilespmem:s11+$0x11050]  }
0x21f: {  	v11 =	vld [tilespmem:s11+$0x16050]  }
0x220: {  	v12 =	vld [tilespmem:s11+$0x11060]  }
0x221: {  	v13 =	vld [tilespmem:s11+$0x16060]  }
0x222: {  	v14 =	vld [tilespmem:s11+$0x11070]  }
0x223: {  	v15 =	vld [tilespmem:s11+$0x16070]  }
0x224: {  	v16 =	vld [tilespmem:s11+$0x11080]  }
0x225: {  	v17 =	vld [tilespmem:s11+$0x16080]  }
0x226: {  	v18 =	vld [tilespmem:s11+$0x11090]  }
0x227: {  	v19 =	vld [tilespmem:s11+$0x16090]  }
0x228: {  	v20 =	vld [tilespmem:s11+$0x110A0]  }
0x229: {  	v21 =	vld [tilespmem:s11+$0x110B0]  }
0x22a: {  	v54 =	vld [tilespmem:s11+$0x110C0]  }
0x22b: {  	v56 =	vld [tilespmem:s11+$0x160D0]  }
0x22c: {  	v58 =	vld [tilespmem:s11+$0x110E0]  }
0x22d: {  	v60 =	vld [tilespmem:s11+$0x160E0]  }
0x22e: {  	v0 =	vadd.f32 v1, v0;
	v1 =	vld [tilespmem:s11+$0x16020]  }
0x22f: {  	v2 =	vadd.f32 v3, v2;
	v3 =	vld [tilespmem:s11+$0x160A0]  }
0x230: {  	[tilespmem:s11+$0xC0F0] =	vst.add.f32.msk $0xffff, v0  }
0x231: {  	v0 =	vld [tilespmem:s11+$0x11030]  }
0x232: {  	v4 =	vadd.f32 v5, v4;
	[tilespmem:s11+$0xC000] =	vst.add.f32.msk $0xffff, v2  }
0x233: {  	v55 =	vadd.f32 v9, v8;
	v2 =	vld [tilespmem:s11+$0x160B0]  }
0x234: {  	v57 =	vadd.f32 v11, v10;
	[tilespmem:s11+$0xC010] =	vst.add.f32.msk $0xffff, v4  }
0x235: {  	v59 =	vadd.f32 v13, v12;
	[tilespmem:s11+$0xC040] =	vst.add.f32.msk $0xffff, v55  }
0x236: {  	[tilespmem:s11+$0xC050] =	vst.add.f32.msk $0xffff, v57;
	v1 =	vadd.f32 v1, v6  }
0x237: {  	[tilespmem:s11+$0xC060] =	vst.add.f32.msk $0xffff, v59  }
0x238: {  	v0 =	vadd.f32 v7, v0;
	[tilespmem:s11+$0xC020] =	vst.add.f32.msk $0xffff, v1  }
0x239: {  	v1 =	vld [tilespmem:s11+$0x160C0]  }
0x23a: {  	v61 =	vadd.f32 v15, v14;
	[tilespmem:s11+$0xC030] =	vst.add.f32.msk $0xffff, v0  }
0x23b: {  	v62 =	vadd.f32 v17, v16;
	v0 =	vld [tilespmem:s11+$0x110D0]  }
0x23c: {  	v63 =	vadd.f32 v19, v18;
	[tilespmem:s11+$0xC070] =	vst.add.f32.msk $0xffff, v61  }
0x23d: {  	[tilespmem:s11+$0xC080] =	vst.add.f32.msk $0xffff, v62;
	v3 =	vadd.f32 v3, v20  }
0x23e: {  	[tilespmem:s11+$0xC090] =	vst.add.f32.msk $0xffff, v63;
	v2 =	vadd.f32 v2, v21  }
0x23f: {  	[tilespmem:s11+$0xC0A0] =	vst.add.f32.msk $0xffff, v3;
	v1 =	vadd.f32 v1, v54  }
0x240: {  	[tilespmem:s11+$0xC0B0] =	vst.add.f32.msk $0xffff, v2;
	v3 =	vadd.f32 v56, v0  }
0x241: {  	[tilespmem:s11+$0xC0C0] =	vst.add.f32.msk $0xffff, v1;
	v0 =	vadd.f32 v60, v58  }
0x242: {  	s13 =	simm.s32 $0x400;
	s12 =	simm.s32 $0x0;
	[tilespmem:s11+$0xC0D0] =	vst.add.f32.msk $0xffff, v3  }
.LBB2_12:
0x243: {  	[tilespmem:s11+$0xC0E0] =	vst.add.f32.msk $0xffff, v0;
	s11 =	sshra.s32 s13, $0x2  }
0x244: {  	s12 =	sadd.s32 $0x2, s12;
	v0 =	vld [tilespmem:s11+$0x110F0]  }
0x245: {  	p1 =	slt.u32 s12, $0x4E;
	v1 =	vld [tilespmem:s11+$0x160F0]  }
0x246: {  	v2 =	vld [tilespmem:s11+$0x11000]  }
0x247: {  	v3 =	vld [tilespmem:s11+$0x16000]  }
0x248: {  	v4 =	vld [tilespmem:s11+$0x11010]  }
0x249: {  	v5 =	vld [tilespmem:s11+$0x16010]  }
0x24a: {  	v6 =	vld [tilespmem:s11+$0x11020];
	v0 =	vadd.f32 v1, v0  }
0x24b: {  	v1 =	vld [tilespmem:s11+$0x16020]  }
0x24c: {  	v2 =	vadd.f32 v3, v2;
	[tilespmem:s11+$0xC0F0] =	vst.add.f32.msk $0xffff, v0  }
0x24d: {  	v0 =	vld [tilespmem:s11+$0x11030]  }
0x24e: {  	v3 =	vadd.f32 v5, v4;
	v4 =	vld [tilespmem:s11+$0x16030]  }
0x24f: {  	v5 =	vld [tilespmem:s11+$0x11040]  }
0x250: {  	v1 =	vadd.f32 v1, v6;
	v6 =	vld [tilespmem:s11+$0x16040]  }
0x251: {  	v7 =	vld [tilespmem:s11+$0x11050]  }
0x252: {  	v8 =	vld [tilespmem:s11+$0x16050]  }
0x253: {  	v0 =	vadd.f32 v4, v0;
	v4 =	vld [tilespmem:s11+$0x11060]  }
0x254: {  	v9 =	vld [tilespmem:s11+$0x16060]  }
0x255: {  	v5 =	vadd.f32 v6, v5;
	v6 =	vld [tilespmem:s11+$0x11070]  }
0x256: {  	v10 =	vld [tilespmem:s11+$0x16070]  }
0x257: {  	v7 =	vadd.f32 v8, v7;
	v8 =	vld [tilespmem:s11+$0x11080]  }
0x258: {  	v11 =	vld [tilespmem:s11+$0x16080]  }
0x259: {  	v4 =	vadd.f32 v9, v4;
	v9 =	vld [tilespmem:s11+$0x11090]  }
0x25a: {  	v12 =	vld [tilespmem:s11+$0x16090]  }
0x25b: {  	v6 =	vadd.f32 v10, v6;
	v10 =	vld [tilespmem:s11+$0x110A0]  }
0x25c: {  	v13 =	vld [tilespmem:s11+$0x160A0]  }
0x25d: {  	v8 =	vadd.f32 v11, v8;
	v11 =	vld [tilespmem:s11+$0x110B0]  }
0x25e: {  	v14 =	vld [tilespmem:s11+$0x160B0]  }
0x25f: {  	v9 =	vadd.f32 v12, v9;
	v12 =	vld [tilespmem:s11+$0x110C0]  }
0x260: {  	v15 =	vld [tilespmem:s11+$0x160C0]  }
0x261: {  	v10 =	vadd.f32 v13, v10;
	v13 =	vld [tilespmem:s11+$0x110D0]  }
0x262: {  	v16 =	vld [tilespmem:s11+$0x160D0]  }
0x263: {  	v11 =	vadd.f32 v14, v11;
	v14 =	vld [tilespmem:s11+$0x110E0]  }
0x264: {  	v17 =	vld [tilespmem:s11+$0x160E0]  }
0x265: {  	[tilespmem:s11+$0xC000] =	vst.add.f32.msk $0xffff, v2;
	v2 =	vadd.f32 v15, v12  }
0x266: {  	[tilespmem:s11+$0xC010] =	vst.add.f32.msk $0xffff, v3  }
0x267: {  	[tilespmem:s11+$0xC020] =	vst.add.f32.msk $0xffff, v1;
	v1 =	vadd.f32 v16, v13  }
0x268: {  	[tilespmem:s11+$0xC030] =	vst.add.f32.msk $0xffff, v0  }
0x269: {  	[tilespmem:s11+$0xC040] =	vst.add.f32.msk $0xffff, v5;
	v0 =	vadd.f32 v17, v14  }
0x26a: {  	[tilespmem:s11+$0xC050] =	vst.add.f32.msk $0xffff, v7  }
0x26b: {  	[tilespmem:s11+$0xC060] =	vst.add.f32.msk $0xffff, v4  }
0x26c: {  	[tilespmem:s11+$0xC070] =	vst.add.f32.msk $0xffff, v6  }
0x26d: {  	[tilespmem:s11+$0xC080] =	vst.add.f32.msk $0xffff, v8  }
.Ltmp5:
0x26e: {  	[tilespmem:s11+$0xC090] =	vst.add.f32.msk $0xffff, v9;
	(pc) =	sbr.rel @p1 .LBB2_12-.Ltmp5, $4  }
0x26f: {  	[tilespmem:s11+$0xC0A0] =	vst.add.f32.msk $0xffff, v10  }
0x270: {  	[tilespmem:s11+$0xC0B0] =	vst.add.f32.msk $0xffff, v11  }
0x271: {  	[tilespmem:s11+$0xC0C0] =	vst.add.f32.msk $0xffff, v2  }
0x272: {  	s13 =	sadd.s32 $0x400, s13;
	[tilespmem:s11+$0xC0D0] =	vst.add.f32.msk $0xffff, v1  }
0x273: {  	s22 =	sadd.s32 $0x1, s22  }
0x274: {  	p1 =	sne.s32 s22, s17  }
.Ltmp6:
0x275: {  	[tilespmem:s11+$0xC0E0] =	vst.add.f32.msk $0xffff, v0;
	(pc) =	sbr.rel @p1 .LBB2_1-.Ltmp6, $4  }
0x276: {  	[hbm4b:s16+s8] =	stream.linear.scatter [tilespmem:s25], [sflag:$0x3], $0x2800, $0x38;
	[tilespmem:$0x1B960] =	vst v63  }
0x277: {  	_ =	swait.ge [sflag:s2], $0x2800  }
0x278: {  	[sflag:s2] =	ssyncset.done $0x0  }
0x279: {  	[sflag:s2] =	ssyncadd.s32 $0xFFFFD800  }
0x27a: {  	_ =	sfence.sel $0x180000  }
0x27b: {  	[bflag:$0x0] =	sbarrier.arrive $0xFFFF  }
0x27c: {  	_ =	strace $0x90000047  }
0x27d: {  	[bflag:$0x2] =	sbarrier.arrive $0xFFFF  }
0x27e: {  	s0 =	rddreg [dreg:$0x8]  }
0x27f: {  	s0 =	sadd.s32 @!p0 $0x100000, s0  }
0x280: {  	[sflag:s0] =	ssyncadd.tile.s32 @!p0 $0x1;
	_ =	shalt  }
.Lfunc_end2:
_tile_overlayer_lowered:
.L_overlay_start_2:
0x281: {  	(tag) =	ssettag $0x2  }
0x282: {  	s0 =	rddreg [dreg:$0x0];
	s2 =	stileid.u32  }
0x283: {  	s1 =	rddreg [dreg:$0x1];
	p0 =	sne.s32 s2, $0x0  }
0x284: {  	s3 =	rddreg [dreg:$0x2];
	[bflag:$0x3] =	sbarrier.arrive $0xFFFF;
	s2 =	simm.s32 @!p0 $0x1C05  }
0x285: {  	[timem:s3], [sflag:s2] =	dma.local @!p0 [hbm:s0], s1  }
0x286: {  	s0 =	simm.s32 @!p0 $0x5  }
0x287: {  	_ =	swait.ge @!p0 [sflag:s0], s1  }
0x288: {  	s1 =	ssub.s32 @!p0 $0x0, s1;
	[sflag:s0] =	ssyncset.done @!p0 $0x0  }
0x289: {  	[sflag:s0] =	ssyncadd.s32 @!p0 s1  }
0x28a: {  	[bflag:$0x3] =	sbarrier.arrive $0xFFFF  }
0x28b: {  	_ =	shalt  }

</sc_bundles>
